<compile_context>
chip_gen: v7x
topology: tpu7x:2x2x1
jax: 0.10.2.dev20260603
libtpu: 0.0.44.dev20260713+nightly
codegen_flags: <defaults>
</compile_context>

<pallas_src>
import functools

import jax
import jax.numpy as jnp
from jax import lax
from jax.experimental import pallas as pl
from jax.experimental.pallas import tpu as pltpu
from jax.experimental.pallas import tpu_sc as plsc

B, C, H, W = 4, 64, 48, 48
HW = H * W
D = C // 8
K9 = 9
RB = 768
NB = HW // RB

NW = 32
ROWS_TOTAL = B * HW * K9
ROWS_PER_W = ROWS_TOTAL // NW
GCHUNK = 96
NCHUNK = ROWS_PER_W // GCHUNK
CP = 128

_SORT9 = [
    (0, 3), (1, 7), (2, 5), (4, 8),
    (0, 7), (2, 4), (3, 8), (5, 6),
    (0, 2), (1, 3), (4, 5), (7, 8),
    (1, 4), (3, 6), (5, 7),
    (0, 1), (2, 4), (3, 5), (6, 8),
    (2, 3), (4, 5), (6, 7),
    (1, 2), (3, 4), (5, 6),
]


def _topk_body(xf_ref, xb_ref, qW_ref, kW_ref, qb_ref, kb_ref, out_ref, tbl_ref):
    boff = pl.program_id(0) * HW
    xf = xf_ref[0]
    xb = xb_ref[0]
    q = jnp.dot(qW_ref[...], xf, preferred_element_type=jnp.float32) + qb_ref[...]
    kt = jnp.dot(kW_ref[...], xb, preferred_element_type=jnp.float32) + kb_ref[...]
    e = lax.dot_general(kt, q, (((0,), (0,)), ((), ())),
                        preferred_element_type=jnp.float32)

    iota = lax.broadcasted_iota(jnp.int32, (RB, HW), 1)
    idxs = []
    for k in range(K9):
        am = jnp.argmax(e, axis=1).astype(jnp.int32).reshape(RB, 1)
        idxs.append(am)
        if k + 1 < K9:
            e = jnp.where(iota == am, -jnp.inf, e)

    for a, b in _SORT9:
        lo = jnp.minimum(idxs[a], idxs[b])
        hi = jnp.maximum(idxs[a], idxs[b])
        idxs[a], idxs[b] = lo, hi

    lane = lax.broadcasted_iota(jnp.int32, (RB, 16), 1)
    acc = jnp.zeros((RB, 16), jnp.int32)
    for k, v in enumerate(idxs):
        acc = jnp.where(lane == k, v + boff, acc)
    out_ref[0] = acc

    tbl_ref[0, :, 0:C] = xb.T
    tbl_ref[0, :, C:CP] = jnp.zeros((RB, CP - C), jnp.float32)


def _topk_sidx(x_flat, qW, qb, kW, kb):
    return pl.pallas_call(
        _topk_body,
        grid=(B, NB),
        in_specs=[
            pl.BlockSpec((1, C, HW), lambda b, n: (b, 0, 0)),
            pl.BlockSpec((1, C, RB), lambda b, n: (b, 0, n)),
            pl.BlockSpec((D, C), lambda b, n: (0, 0)),
            pl.BlockSpec((D, C), lambda b, n: (0, 0)),
            pl.BlockSpec((D, 1), lambda b, n: (0, 0)),
            pl.BlockSpec((D, 1), lambda b, n: (0, 0)),
        ],
        out_specs=[
            pl.BlockSpec((1, RB, 16), lambda b, n: (b, n, 0)),
            pl.BlockSpec((1, RB, CP), lambda b, n: (b, n, 0)),
        ],
        out_shape=[
            jax.ShapeDtypeStruct((B, HW, 16), jnp.int32),
            jax.ShapeDtypeStruct((B, HW, CP), jnp.float32),
        ],
    )(x_flat, x_flat, qW, kW, qb.reshape(D, 1), kb.reshape(D, 1))


def _sc_gather(table, idx3):
    mesh = plsc.VectorSubcoreMesh(core_axis_name="c", subcore_axis_name="s")

    @functools.partial(
        pl.kernel,
        mesh=mesh,
        out_type=jax.ShapeDtypeStruct((ROWS_TOTAL, CP), jnp.float32),
        scratch_types=[
            pltpu.VMEM((NCHUNK, GCHUNK), jnp.int32),
            pltpu.VMEM((GCHUNK, CP), jnp.float32),
            pltpu.VMEM((GCHUNK, CP), jnp.float32),
            pltpu.SemaphoreType.DMA,
            pltpu.SemaphoreType.DMA,
        ],
    )
    def k(table_hbm, idx_hbm, out_hbm, idx_v, rows_a, rows_b, sem_a, sem_b):
        wid = lax.axis_index("s") * 2 + lax.axis_index("c")
        pltpu.sync_copy(idx_hbm.at[wid], idx_v)
        base = wid * ROWS_PER_W

        bufs = [(rows_a, sem_a), (rows_b, sem_b)]
        cps = [None, None]
        cps[0] = pltpu.async_copy(table_hbm.at[idx_v.at[0]], rows_a, sem_a)
        for c in range(NCHUNK):
            if c + 1 < NCHUNK:
                nxt, nsem = bufs[(c + 1) % 2]
                cps[(c + 1) % 2] = pltpu.async_copy(
                    table_hbm.at[idx_v.at[c + 1]], nxt, nsem)
            cur, _sem = bufs[c % 2]
            cps[c % 2].wait()
            pltpu.sync_copy(cur, out_hbm.at[pl.ds(base + c * GCHUNK, GCHUNK)])

    return k(table, idx3)


RB3 = 384
NB3 = HW // RB3


def _out_body(g_ref, w2_ref, x_ref, bias_ref, gamma_ref, out_ref):
    acc = lax.dot_general(w2_ref[...], g_ref[...], (((0,), (1,)), ((), ())),
                          preferred_element_type=jnp.float32)
    acc = jnp.maximum(acc + bias_ref[...], 0.0)
    out_ref[0] = gamma_ref[0, 0] * acc + x_ref[0]


def _final_matmul(g2, w2, x_flat, bias, gamma):
    return pl.pallas_call(
        _out_body,
        grid=(B, NB3),
        in_specs=[
            pl.BlockSpec((RB3, K9 * CP), lambda b, n: (b * NB3 + n, 0)),
            pl.BlockSpec((K9 * CP, C), lambda b, n: (0, 0)),
            pl.BlockSpec((1, C, RB3), lambda b, n: (b, 0, n)),
            pl.BlockSpec((C, 1), lambda b, n: (0, 0)),
            pl.BlockSpec((1, 1), lambda b, n: (0, 0)),
        ],
        out_specs=pl.BlockSpec((1, C, RB3), lambda b, n: (b, 0, n)),
        out_shape=jax.ShapeDtypeStruct((B, C, HW), jnp.float32),
    )(g2, w2, x_flat, bias, gamma)


def kernel(x, qW, qb, kW, kb, gamma, weight, bias):
    x_flat = x.reshape(B, C, HW)
    sidx, table = _topk_sidx(x_flat, qW, qb, kW, kb)
    idx3 = sidx[..., :K9].reshape(NW, NCHUNK, GCHUNK)
    g = _sc_gather(table.reshape(B * HW, CP), idx3)

    g2 = g.reshape(B * HW, K9 * CP)
    w2 = jnp.pad(weight.transpose(2, 1, 0),
                 ((0, 0), (0, CP - C), (0, 0))).reshape(K9 * CP, C)
    out = _final_matmul(g2, w2, x_flat, bias.reshape(C, 1), gamma.reshape(1, 1))
    return out.reshape(B, C, H, W)

# --- scband reference (transcript-rebuilt; emitter-appended) ---
"""Pipeline reference for scband-full-conv-res1-37434934952365 (READ-ONLY COPY).

The authoritative reference and input builder live on the scoring server;
editing this copy changes nothing except your own understanding.
"""

import jax, jax.numpy as jnp
import numpy as np


def setup_inputs(seed: int = 0) -> dict:
    key = jax.random.key(seed)
    ks = jax.random.split(key, 8)
    B, C, H, W = 4, 64, 48, 48
    x = jax.random.normal(ks[0], (B, C, H, W), dtype=jnp.float32)
    # 1x1 conv weights for query/key projections (C -> C//8)
    qW = jax.random.normal(ks[1], (C // 8, C), dtype=jnp.float32) * 0.1
    qb = jnp.zeros((C // 8,), dtype=jnp.float32)
    kW = jax.random.normal(ks[2], (C // 8, C), dtype=jnp.float32) * 0.1
    kb = jnp.zeros((C // 8,), dtype=jnp.float32)
    gamma = jnp.full((1,), 0.5, dtype=jnp.float32)
    # weight: [out_channels, in_channels, kernel_size*kernel_size] = [64, 64, 9], xavier-ish scale
    weight = jax.random.normal(ks[3], (64, 64, 9), dtype=jnp.float32) * (1.0 / np.sqrt(64 * 9))
    bias = jnp.full((64,), 0.1, dtype=jnp.float32)
    return {"x": x, "qW": qW, "qb": qb, "kW": kW, "kb": kb, "gamma": gamma, "weight": weight, "bias": bias}


def reference(x, qW, qb, kW, kb, gamma, weight, bias):
    B, C, H, W = x.shape
    HW = H * W
    x_flat = x.reshape(B, C, HW)
    # 1x1 convs as matmuls over the channel dim
    proj_query = jnp.einsum('dc,bcn->bdn', qW, x_flat) + qb[None, :, None]   # [B, C//8, HW]
    proj_key = jnp.einsum('dc,bcn->bnd', kW, x_flat) + kb[None, None, :]     # [B, HW, C//8]
    energy = jnp.einsum('bnd,bdm->bnm', proj_key, proj_query)                # [B, HW, HW]
    # top-9 receptive field indices per query position (largest=True)
    _, rf_idx = jax.lax.top_k(energy, 9)                                     # [B, HW, 9]
    # torch code builds a 0/1 mask and gathers in ascending-position order,
    # which is equivalent to sorting the top-k indices ascending
    sidx = jnp.sort(rf_idx, axis=-1)                                         # [B, HW, 9]
    # gather x columns at the 9 selected positions for every query position
    gathered = jnp.take_along_axis(x_flat[:, None, :, :], sidx[:, :, None, :], axis=3)  # [B, HW, C, 9]
    # out[b, i, j] = sum_{c,k} gathered[b, j, c, k] * weight[i, c, k] + bias[i]
    out = jnp.einsum('bjck,ick->bij', gathered, weight) + bias[None, :, None]  # [B, C, HW]
    out = jax.nn.relu(out.reshape(B, C, H, W))
    return gamma * out + x

if __name__ == "__main__":
    import jax
    _d = setup_inputs()
    print(jax.jit(kernel)(*tuple(_d.values())))

</pallas_src>

<mosaic_0001>
#map = affine_map<(d0, d1) -> (0, 0)>
#map1 = affine_map<(d0, d1) -> (0, 0, 0)>
module attributes {stable_mosaic.version = 14 : i64} {
  func.func @k(%arg0: i32, %arg1: i32, %arg2: memref<9216x128xf32, #tpu.memory_space<hbm>>, %arg3: memref<32x27x96xi32, #tpu.memory_space<hbm>>, %arg4: memref<82944x128xf32, #tpu.memory_space<hbm>>, %arg5: memref<27x96xi32, #tpu.memory_space<vmem>>, %arg6: memref<96x128xf32, #tpu.memory_space<vmem>>, %arg7: memref<96x128xf32, #tpu.memory_space<vmem>>, %arg8: memref<!tpu.dma_semaphore, #tpu.memory_space<semaphore_mem>>, %arg9: memref<!tpu.dma_semaphore, #tpu.memory_space<semaphore_mem>>) attributes {dimension_semantics = [#tpu.dimension_semantics<core_parallel>, #tpu.dimension_semantics<subcore_parallel>], iteration_bounds = array<i64: 2, 16>, scalar_prefetch = 0 : i64, scratch_operands = 5 : i64, tpu.core_type = #tpu.core_type<sc_vector_subcore>, window_params = [{transform_indices = #map}, {transform_indices = #map1}, {transform_indices = #map}]} {
    %mul3A = arith.constant 2 : i32
    %mul3A_0 = arith.muli %arg1, %mul3A : i32
    %add3A = arith.addi %mul3A_0, %arg0 : i32
    "tpu.region"() ({
      %run_scoped3A = tpu.sem_alloc : memref<!tpu.dma_semaphore, #tpu.memory_space<semaphore_mem>>
      %dma_start3A_433 = arith.constant 0 : i32
      %dma_start3A_434 = arith.constant 0 : i32
      %dma_start3A_435 = tpu.memref_slice %arg3[%add3A, %dma_start3A_433, %dma_start3A_434] : memref<32x27x96xi32, #tpu.memory_space<hbm>> -> memref<1x27x96xi32, #tpu.memory_space<hbm>>
      %dma_start3A_436 = tpu.memref_squeeze %dma_start3A_435 : memref<1x27x96xi32, #tpu.memory_space<hbm>> -> memref<27x96xi32, #tpu.memory_space<hbm>>
      %dma_start3A_437 = arith.constant 0 : i32
      %dma_start3A_438 = arith.constant 0 : i32
      %dma_start3A_439 = tpu.memref_slice %arg3[%add3A, %dma_start3A_437, %dma_start3A_438] : memref<32x27x96xi32, #tpu.memory_space<hbm>> -> memref<1x27x96xi32, #tpu.memory_space<hbm>>
      %dma_start3A_440 = tpu.memref_squeeze %dma_start3A_439 : memref<1x27x96xi32, #tpu.memory_space<hbm>> -> memref<27x96xi32, #tpu.memory_space<hbm>>
      tpu.enqueue_dma source(%dma_start3A_440 : memref<27x96xi32, #tpu.memory_space<hbm>>) target(%arg5 : memref<27x96xi32, #tpu.memory_space<vmem>>) target_semaphore(%run_scoped3A : memref<!tpu.dma_semaphore, #tpu.memory_space<semaphore_mem>>)
      %dma_wait3A_441 = arith.constant 0 : i32
      %dma_wait3A_442 = arith.constant 0 : i32
      %dma_wait3A_443 = tpu.memref_slice %arg3[%add3A, %dma_wait3A_441, %dma_wait3A_442] : memref<32x27x96xi32, #tpu.memory_space<hbm>> -> memref<1x27x96xi32, #tpu.memory_space<hbm>>
      %dma_wait3A_444 = tpu.memref_squeeze %dma_wait3A_443 : memref<1x27x96xi32, #tpu.memory_space<hbm>> -> memref<27x96xi32, #tpu.memory_space<hbm>>
      %dma_wait3A_445 = arith.constant 0 : i32
      %dma_wait3A_446 = arith.constant 0 : i32
      %dma_wait3A_447 = tpu.memref_slice %arg3[%add3A, %dma_wait3A_445, %dma_wait3A_446] : memref<32x27x96xi32, #tpu.memory_space<hbm>> -> memref<1x27x96xi32, #tpu.memory_space<hbm>>
      %dma_wait3A_448 = tpu.memref_squeeze %dma_wait3A_447 : memref<1x27x96xi32, #tpu.memory_space<hbm>> -> memref<27x96xi32, #tpu.memory_space<hbm>>
      tpu.wait_dma2 semaphore(%run_scoped3A : memref<!tpu.dma_semaphore, #tpu.memory_space<semaphore_mem>>) src(%dma_wait3A_448 : memref<27x96xi32, #tpu.memory_space<hbm>>) dst(%arg5 : memref<27x96xi32, #tpu.memory_space<vmem>>)
      tpu.yield
    }) : () -> ()
    %mul3A_1 = arith.constant 2592 : i32
    %mul3A_2 = arith.muli %add3A, %mul3A_1 : i32
    %dma_start3A = arith.constant 0 : i32
    %dma_start3A_3 = arith.constant 0 : i32
    %dma_start3A_4 = tpu.memref_slice %arg5[%dma_start3A, %dma_start3A_3] : memref<27x96xi32, #tpu.memory_space<vmem>> -> memref<1x96xi32, #tpu.memory_space<vmem>>
    %dma_start3A_5 = tpu.memref_squeeze %dma_start3A_4 : memref<1x96xi32, #tpu.memory_space<vmem>> -> memref<96xi32, #tpu.memory_space<vmem>>
    %dma_start3A_6 = arith.constant 0 : i32
    %dma_start3A_7 = arith.constant 0 : i32
    %dma_start3A_8 = tpu.memref_slice %arg2[%dma_start3A_6, %dma_start3A_7] : memref<9216x128xf32, #tpu.memory_space<hbm>> -> memref<9216x128xf32, #tpu.memory_space<hbm>>
    tpu.enqueue_indirect_dma source(%dma_start3A_8 : memref<9216x128xf32, #tpu.memory_space<hbm>>) target(%arg6 : memref<96x128xf32, #tpu.memory_space<vmem>>) offsets(%dma_start3A_5 : memref<96xi32, #tpu.memory_space<vmem>>) semaphore(%arg8 : memref<!tpu.dma_semaphore, #tpu.memory_space<semaphore_mem>>)
    %dma_start3A_9 = arith.constant 1 : i32
    %dma_start3A_10 = arith.constant 0 : i32
    %dma_start3A_11 = tpu.memref_slice %arg5[%dma_start3A_9, %dma_start3A_10] : memref<27x96xi32, #tpu.memory_space<vmem>> -> memref<1x96xi32, #tpu.memory_space<vmem>>
    %dma_start3A_12 = tpu.memref_squeeze %dma_start3A_11 : memref<1x96xi32, #tpu.memory_space<vmem>> -> memref<96xi32, #tpu.memory_space<vmem>>
    %dma_start3A_13 = arith.constant 0 : i32
    %dma_start3A_14 = arith.constant 0 : i32
    %dma_start3A_15 = tpu.memref_slice %arg2[%dma_start3A_13, %dma_start3A_14] : memref<9216x128xf32, #tpu.memory_space<hbm>> -> memref<9216x128xf32, #tpu.memory_space<hbm>>
    tpu.enqueue_indirect_dma source(%dma_start3A_15 : memref<9216x128xf32, #tpu.memory_space<hbm>>) target(%arg7 : memref<96x128xf32, #tpu.memory_space<vmem>>) offsets(%dma_start3A_12 : memref<96xi32, #tpu.memory_space<vmem>>) semaphore(%arg9 : memref<!tpu.dma_semaphore, #tpu.memory_space<semaphore_mem>>)
    %dma_wait3A = arith.constant 0 : i32
    %dma_wait3A_16 = arith.constant 0 : i32
    %dma_wait3A_17 = tpu.memref_slice %arg5[%dma_wait3A, %dma_wait3A_16] : memref<27x96xi32, #tpu.memory_space<vmem>> -> memref<1x96xi32, #tpu.memory_space<vmem>>
    %dma_wait3A_18 = tpu.memref_squeeze %dma_wait3A_17 : memref<1x96xi32, #tpu.memory_space<vmem>> -> memref<96xi32, #tpu.memory_space<vmem>>
    %dma_wait3A_19 = arith.constant 0 : i32
    %dma_wait3A_20 = arith.constant 0 : i32
    %dma_wait3A_21 = tpu.memref_slice %arg2[%dma_wait3A_19, %dma_wait3A_20] : memref<9216x128xf32, #tpu.memory_space<hbm>> -> memref<9216x128xf32, #tpu.memory_space<hbm>>
    tpu.wait_indirect_dma semaphore(%arg8 : memref<!tpu.dma_semaphore, #tpu.memory_space<semaphore_mem>>) src(%dma_wait3A_21 : memref<9216x128xf32, #tpu.memory_space<hbm>>) dst(%arg6 : memref<96x128xf32, #tpu.memory_space<vmem>>)
    %add3A_22 = arith.constant 0 : i32
    %add3A_23 = arith.addi %mul3A_2, %add3A_22 : i32
    "tpu.region"() ({
      %run_scoped3A = tpu.sem_alloc : memref<!tpu.dma_semaphore, #tpu.memory_space<semaphore_mem>>
      %dma_start3A_433 = arith.constant 0 : i32
      %dma_start3A_434 = tpu.memref_slice %arg4[%add3A_23, %dma_start3A_433] : memref<82944x128xf32, #tpu.memory_space<hbm>> -> memref<96x128xf32, #tpu.memory_space<hbm>>
      %dma_start3A_435 = arith.constant 0 : i32
      %dma_start3A_436 = tpu.memref_slice %arg4[%add3A_23, %dma_start3A_435] : memref<82944x128xf32, #tpu.memory_space<hbm>> -> memref<96x128xf32, #tpu.memory_space<hbm>>
      tpu.enqueue_dma source(%arg6 : memref<96x128xf32, #tpu.memory_space<vmem>>) target(%dma_start3A_436 : memref<96x128xf32, #tpu.memory_space<hbm>>) target_semaphore(%run_scoped3A : memref<!tpu.dma_semaphore, #tpu.memory_space<semaphore_mem>>)
      %dma_wait3A_437 = arith.constant 0 : i32
      %dma_wait3A_438 = tpu.memref_slice %arg4[%add3A_23, %dma_wait3A_437] : memref<82944x128xf32, #tpu.memory_space<hbm>> -> memref<96x128xf32, #tpu.memory_space<hbm>>
      %dma_wait3A_439 = arith.constant 0 : i32
      %dma_wait3A_440 = tpu.memref_slice %arg4[%add3A_23, %dma_wait3A_439] : memref<82944x128xf32, #tpu.memory_space<hbm>> -> memref<96x128xf32, #tpu.memory_space<hbm>>
      tpu.wait_dma2 semaphore(%run_scoped3A : memref<!tpu.dma_semaphore, #tpu.memory_space<semaphore_mem>>) src(%arg6 : memref<96x128xf32, #tpu.memory_space<vmem>>) dst(%dma_wait3A_440 : memref<96x128xf32, #tpu.memory_space<hbm>>)
      tpu.yield
    }) : () -> ()
    %dma_start3A_24 = arith.constant 2 : i32
    %dma_start3A_25 = arith.constant 0 : i32
    %dma_start3A_26 = tpu.memref_slice %arg5[%dma_start3A_24, %dma_start3A_25] : memref<27x96xi32, #tpu.memory_space<vmem>> -> memref<1x96xi32, #tpu.memory_space<vmem>>
    %dma_start3A_27 = tpu.memref_squeeze %dma_start3A_26 : memref<1x96xi32, #tpu.memory_space<vmem>> -> memref<96xi32, #tpu.memory_space<vmem>>
    %dma_start3A_28 = arith.constant 0 : i32
    %dma_start3A_29 = arith.constant 0 : i32
    %dma_start3A_30 = tpu.memref_slice %arg2[%dma_start3A_28, %dma_start3A_29] : memref<9216x128xf32, #tpu.memory_space<hbm>> -> memref<9216x128xf32, #tpu.memory_space<hbm>>
    tpu.enqueue_indirect_dma source(%dma_start3A_30 : memref<9216x128xf32, #tpu.memory_space<hbm>>) target(%arg6 : memref<96x128xf32, #tpu.memory_space<vmem>>) offsets(%dma_start3A_27 : memref<96xi32, #tpu.memory_space<vmem>>) semaphore(%arg8 : memref<!tpu.dma_semaphore, #tpu.memory_space<semaphore_mem>>)
    %dma_wait3A_31 = arith.constant 1 : i32
    %dma_wait3A_32 = arith.constant 0 : i32
    %dma_wait3A_33 = tpu.memref_slice %arg5[%dma_wait3A_31, %dma_wait3A_32] : memref<27x96xi32, #tpu.memory_space<vmem>> -> memref<1x96xi32, #tpu.memory_space<vmem>>
    %dma_wait3A_34 = tpu.memref_squeeze %dma_wait3A_33 : memref<1x96xi32, #tpu.memory_space<vmem>> -> memref<96xi32, #tpu.memory_space<vmem>>
    %dma_wait3A_35 = arith.constant 0 : i32
    %dma_wait3A_36 = arith.constant 0 : i32
    %dma_wait3A_37 = tpu.memref_slice %arg2[%dma_wait3A_35, %dma_wait3A_36] : memref<9216x128xf32, #tpu.memory_space<hbm>> -> memref<9216x128xf32, #tpu.memory_space<hbm>>
    tpu.wait_indirect_dma semaphore(%arg9 : memref<!tpu.dma_semaphore, #tpu.memory_space<semaphore_mem>>) src(%dma_wait3A_37 : memref<9216x128xf32, #tpu.memory_space<hbm>>) dst(%arg7 : memref<96x128xf32, #tpu.memory_space<vmem>>)
    %add3A_38 = arith.constant 96 : i32
    %add3A_39 = arith.addi %mul3A_2, %add3A_38 : i32
    "tpu.region"() ({
      %run_scoped3A = tpu.sem_alloc : memref<!tpu.dma_semaphore, #tpu.memory_space<semaphore_mem>>
      %dma_start3A_433 = arith.constant 0 : i32
      %dma_start3A_434 = tpu.memref_slice %arg4[%add3A_39, %dma_start3A_433] : memref<82944x128xf32, #tpu.memory_space<hbm>> -> memref<96x128xf32, #tpu.memory_space<hbm>>
      %dma_start3A_435 = arith.constant 0 : i32
      %dma_start3A_436 = tpu.memref_slice %arg4[%add3A_39, %dma_start3A_435] : memref<82944x128xf32, #tpu.memory_space<hbm>> -> memref<96x128xf32, #tpu.memory_space<hbm>>
      tpu.enqueue_dma source(%arg7 : memref<96x128xf32, #tpu.memory_space<vmem>>) target(%dma_start3A_436 : memref<96x128xf32, #tpu.memory_space<hbm>>) target_semaphore(%run_scoped3A : memref<!tpu.dma_semaphore, #tpu.memory_space<semaphore_mem>>)
      %dma_wait3A_437 = arith.constant 0 : i32
      %dma_wait3A_438 = tpu.memref_slice %arg4[%add3A_39, %dma_wait3A_437] : memref<82944x128xf32, #tpu.memory_space<hbm>> -> memref<96x128xf32, #tpu.memory_space<hbm>>
      %dma_wait3A_439 = arith.constant 0 : i32
      %dma_wait3A_440 = tpu.memref_slice %arg4[%add3A_39, %dma_wait3A_439] : memref<82944x128xf32, #tpu.memory_space<hbm>> -> memref<96x128xf32, #tpu.memory_space<hbm>>
      tpu.wait_dma2 semaphore(%run_scoped3A : memref<!tpu.dma_semaphore, #tpu.memory_space<semaphore_mem>>) src(%arg7 : memref<96x128xf32, #tpu.memory_space<vmem>>) dst(%dma_wait3A_440 : memref<96x128xf32, #tpu.memory_space<hbm>>)
      tpu.yield
    }) : () -> ()
    %dma_start3A_40 = arith.constant 3 : i32
    %dma_start3A_41 = arith.constant 0 : i32
    %dma_start3A_42 = tpu.memref_slice %arg5[%dma_start3A_40, %dma_start3A_41] : memref<27x96xi32, #tpu.memory_space<vmem>> -> memref<1x96xi32, #tpu.memory_space<vmem>>
    %dma_start3A_43 = tpu.memref_squeeze %dma_start3A_42 : memref<1x96xi32, #tpu.memory_space<vmem>> -> memref<96xi32, #tpu.memory_space<vmem>>
    %dma_start3A_44 = arith.constant 0 : i32
    %dma_start3A_45 = arith.constant 0 : i32
    %dma_start3A_46 = tpu.memref_slice %arg2[%dma_start3A_44, %dma_start3A_45] : memref<9216x128xf32, #tpu.memory_space<hbm>> -> memref<9216x128xf32, #tpu.memory_space<hbm>>
    tpu.enqueue_indirect_dma source(%dma_start3A_46 : memref<9216x128xf32, #tpu.memory_space<hbm>>) target(%arg7 : memref<96x128xf32, #tpu.memory_space<vmem>>) offsets(%dma_start3A_43 : memref<96xi32, #tpu.memory_space<vmem>>) semaphore(%arg9 : memref<!tpu.dma_semaphore, #tpu.memory_space<semaphore_mem>>)
    %dma_wait3A_47 = arith.constant 2 : i32
    %dma_wait3A_48 = arith.constant 0 : i32
    %dma_wait3A_49 = tpu.memref_slice %arg5[%dma_wait3A_47, %dma_wait3A_48] : memref<27x96xi32, #tpu.memory_space<vmem>> -> memref<1x96xi32, #tpu.memory_space<vmem>>
    %dma_wait3A_50 = tpu.memref_squeeze %dma_wait3A_49 : memref<1x96xi32, #tpu.memory_space<vmem>> -> memref<96xi32, #tpu.memory_space<vmem>>
    %dma_wait3A_51 = arith.constant 0 : i32
    %dma_wait3A_52 = arith.constant 0 : i32
    %dma_wait3A_53 = tpu.memref_slice %arg2[%dma_wait3A_51, %dma_wait3A_52] : memref<9216x128xf32, #tpu.memory_space<hbm>> -> memref<9216x128xf32, #tpu.memory_space<hbm>>
    tpu.wait_indirect_dma semaphore(%arg8 : memref<!tpu.dma_semaphore, #tpu.memory_space<semaphore_mem>>) src(%dma_wait3A_53 : memref<9216x128xf32, #tpu.memory_space<hbm>>) dst(%arg6 : memref<96x128xf32, #tpu.memory_space<vmem>>)
    %add3A_54 = arith.constant 192 : i32
    %add3A_55 = arith.addi %mul3A_2, %add3A_54 : i32
    "tpu.region"() ({
      %run_scoped3A = tpu.sem_alloc : memref<!tpu.dma_semaphore, #tpu.memory_space<semaphore_mem>>
      %dma_start3A_433 = arith.constant 0 : i32
      %dma_start3A_434 = tpu.memref_slice %arg4[%add3A_55, %dma_start3A_433] : memref<82944x128xf32, #tpu.memory_space<hbm>> -> memref<96x128xf32, #tpu.memory_space<hbm>>
      %dma_start3A_435 = arith.constant 0 : i32
      %dma_start3A_436 = tpu.memref_slice %arg4[%add3A_55, %dma_start3A_435] : memref<82944x128xf32, #tpu.memory_space<hbm>> -> memref<96x128xf32, #tpu.memory_space<hbm>>
      tpu.enqueue_dma source(%arg6 : memref<96x128xf32, #tpu.memory_space<vmem>>) target(%dma_start3A_436 : memref<96x128xf32, #tpu.memory_space<hbm>>) target_semaphore(%run_scoped3A : memref<!tpu.dma_semaphore, #tpu.memory_space<semaphore_mem>>)
      %dma_wait3A_437 = arith.constant 0 : i32
      %dma_wait3A_438 = tpu.memref_slice %arg4[%add3A_55, %dma_wait3A_437] : memref<82944x128xf32, #tpu.memory_space<hbm>> -> memref<96x128xf32, #tpu.memory_space<hbm>>
      %dma_wait3A_439 = arith.constant 0 : i32
      %dma_wait3A_440 = tpu.memref_slice %arg4[%add3A_55, %dma_wait3A_439] : memref<82944x128xf32, #tpu.memory_space<hbm>> -> memref<96x128xf32, #tpu.memory_space<hbm>>
      tpu.wait_dma2 semaphore(%run_scoped3A : memref<!tpu.dma_semaphore, #tpu.memory_space<semaphore_mem>>) src(%arg6 : memref<96x128xf32, #tpu.memory_space<vmem>>) dst(%dma_wait3A_440 : memref<96x128xf32, #tpu.memory_space<hbm>>)
      tpu.yield
    }) : () -> ()
    %dma_start3A_56 = arith.constant 4 : i32
    %dma_start3A_57 = arith.constant 0 : i32
    %dma_start3A_58 = tpu.memref_slice %arg5[%dma_start3A_56, %dma_start3A_57] : memref<27x96xi32, #tpu.memory_space<vmem>> -> memref<1x96xi32, #tpu.memory_space<vmem>>
    %dma_start3A_59 = tpu.memref_squeeze %dma_start3A_58 : memref<1x96xi32, #tpu.memory_space<vmem>> -> memref<96xi32, #tpu.memory_space<vmem>>
    %dma_start3A_60 = arith.constant 0 : i32
    %dma_start3A_61 = arith.constant 0 : i32
    %dma_start3A_62 = tpu.memref_slice %arg2[%dma_start3A_60, %dma_start3A_61] : memref<9216x128xf32, #tpu.memory_space<hbm>> -> memref<9216x128xf32, #tpu.memory_space<hbm>>
    tpu.enqueue_indirect_dma source(%dma_start3A_62 : memref<9216x128xf32, #tpu.memory_space<hbm>>) target(%arg6 : memref<96x128xf32, #tpu.memory_space<vmem>>) offsets(%dma_start3A_59 : memref<96xi32, #tpu.memory_space<vmem>>) semaphore(%arg8 : memref<!tpu.dma_semaphore, #tpu.memory_space<semaphore_mem>>)
    %dma_wait3A_63 = arith.constant 3 : i32
    %dma_wait3A_64 = arith.constant 0 : i32
    %dma_wait3A_65 = tpu.memref_slice %arg5[%dma_wait3A_63, %dma_wait3A_64] : memref<27x96xi32, #tpu.memory_space<vmem>> -> memref<1x96xi32, #tpu.memory_space<vmem>>
    %dma_wait3A_66 = tpu.memref_squeeze %dma_wait3A_65 : memref<1x96xi32, #tpu.memory_space<vmem>> -> memref<96xi32, #tpu.memory_space<vmem>>
    %dma_wait3A_67 = arith.constant 0 : i32
    %dma_wait3A_68 = arith.constant 0 : i32
    %dma_wait3A_69 = tpu.memref_slice %arg2[%dma_wait3A_67, %dma_wait3A_68] : memref<9216x128xf32, #tpu.memory_space<hbm>> -> memref<9216x128xf32, #tpu.memory_space<hbm>>
    tpu.wait_indirect_dma semaphore(%arg9 : memref<!tpu.dma_semaphore, #tpu.memory_space<semaphore_mem>>) src(%dma_wait3A_69 : memref<9216x128xf32, #tpu.memory_space<hbm>>) dst(%arg7 : memref<96x128xf32, #tpu.memory_space<vmem>>)
    %add3A_70 = arith.constant 288 : i32
    %add3A_71 = arith.addi %mul3A_2, %add3A_70 : i32
    "tpu.region"() ({
      %run_scoped3A = tpu.sem_alloc : memref<!tpu.dma_semaphore, #tpu.memory_space<semaphore_mem>>
      %dma_start3A_433 = arith.constant 0 : i32
      %dma_start3A_434 = tpu.memref_slice %arg4[%add3A_71, %dma_start3A_433] : memref<82944x128xf32, #tpu.memory_space<hbm>> -> memref<96x128xf32, #tpu.memory_space<hbm>>
      %dma_start3A_435 = arith.constant 0 : i32
      %dma_start3A_436 = tpu.memref_slice %arg4[%add3A_71, %dma_start3A_435] : memref<82944x128xf32, #tpu.memory_space<hbm>> -> memref<96x128xf32, #tpu.memory_space<hbm>>
      tpu.enqueue_dma source(%arg7 : memref<96x128xf32, #tpu.memory_space<vmem>>) target(%dma_start3A_436 : memref<96x128xf32, #tpu.memory_space<hbm>>) target_semaphore(%run_scoped3A : memref<!tpu.dma_semaphore, #tpu.memory_space<semaphore_mem>>)
      %dma_wait3A_437 = arith.constant 0 : i32
      %dma_wait3A_438 = tpu.memref_slice %arg4[%add3A_71, %dma_wait3A_437] : memref<82944x128xf32, #tpu.memory_space<hbm>> -> memref<96x128xf32, #tpu.memory_space<hbm>>
      %dma_wait3A_439 = arith.constant 0 : i32
      %dma_wait3A_440 = tpu.memref_slice %arg4[%add3A_71, %dma_wait3A_439] : memref<82944x128xf32, #tpu.memory_space<hbm>> -> memref<96x128xf32, #tpu.memory_space<hbm>>
      tpu.wait_dma2 semaphore(%run_scoped3A : memref<!tpu.dma_semaphore, #tpu.memory_space<semaphore_mem>>) src(%arg7 : memref<96x128xf32, #tpu.memory_space<vmem>>) dst(%dma_wait3A_440 : memref<96x128xf32, #tpu.memory_space<hbm>>)
      tpu.yield
    }) : () -> ()
    %dma_start3A_72 = arith.constant 5 : i32
    %dma_start3A_73 = arith.constant 0 : i32
    %dma_start3A_74 = tpu.memref_slice %arg5[%dma_start3A_72, %dma_start3A_73] : memref<27x96xi32, #tpu.memory_space<vmem>> -> memref<1x96xi32, #tpu.memory_space<vmem>>
    %dma_start3A_75 = tpu.memref_squeeze %dma_start3A_74 : memref<1x96xi32, #tpu.memory_space<vmem>> -> memref<96xi32, #tpu.memory_space<vmem>>
    %dma_start3A_76 = arith.constant 0 : i32
    %dma_start3A_77 = arith.constant 0 : i32
    %dma_start3A_78 = tpu.memref_slice %arg2[%dma_start3A_76, %dma_start3A_77] : memref<9216x128xf32, #tpu.memory_space<hbm>> -> memref<9216x128xf32, #tpu.memory_space<hbm>>
    tpu.enqueue_indirect_dma source(%dma_start3A_78 : memref<9216x128xf32, #tpu.memory_space<hbm>>) target(%arg7 : memref<96x128xf32, #tpu.memory_space<vmem>>) offsets(%dma_start3A_75 : memref<96xi32, #tpu.memory_space<vmem>>) semaphore(%arg9 : memref<!tpu.dma_semaphore, #tpu.memory_space<semaphore_mem>>)
    %dma_wait3A_79 = arith.constant 4 : i32
    %dma_wait3A_80 = arith.constant 0 : i32
    %dma_wait3A_81 = tpu.memref_slice %arg5[%dma_wait3A_79, %dma_wait3A_80] : memref<27x96xi32, #tpu.memory_space<vmem>> -> memref<1x96xi32, #tpu.memory_space<vmem>>
    %dma_wait3A_82 = tpu.memref_squeeze %dma_wait3A_81 : memref<1x96xi32, #tpu.memory_space<vmem>> -> memref<96xi32, #tpu.memory_space<vmem>>
    %dma_wait3A_83 = arith.constant 0 : i32
    %dma_wait3A_84 = arith.constant 0 : i32
    %dma_wait3A_85 = tpu.memref_slice %arg2[%dma_wait3A_83, %dma_wait3A_84] : memref<9216x128xf32, #tpu.memory_space<hbm>> -> memref<9216x128xf32, #tpu.memory_space<hbm>>
    tpu.wait_indirect_dma semaphore(%arg8 : memref<!tpu.dma_semaphore, #tpu.memory_space<semaphore_mem>>) src(%dma_wait3A_85 : memref<9216x128xf32, #tpu.memory_space<hbm>>) dst(%arg6 : memref<96x128xf32, #tpu.memory_space<vmem>>)
    %add3A_86 = arith.constant 384 : i32
    %add3A_87 = arith.addi %mul3A_2, %add3A_86 : i32
    "tpu.region"() ({
      %run_scoped3A = tpu.sem_alloc : memref<!tpu.dma_semaphore, #tpu.memory_space<semaphore_mem>>
      %dma_start3A_433 = arith.constant 0 : i32
      %dma_start3A_434 = tpu.memref_slice %arg4[%add3A_87, %dma_start3A_433] : memref<82944x128xf32, #tpu.memory_space<hbm>> -> memref<96x128xf32, #tpu.memory_space<hbm>>
      %dma_start3A_435 = arith.constant 0 : i32
      %dma_start3A_436 = tpu.memref_slice %arg4[%add3A_87, %dma_start3A_435] : memref<82944x128xf32, #tpu.memory_space<hbm>> -> memref<96x128xf32, #tpu.memory_space<hbm>>
      tpu.enqueue_dma source(%arg6 : memref<96x128xf32, #tpu.memory_space<vmem>>) target(%dma_start3A_436 : memref<96x128xf32, #tpu.memory_space<hbm>>) target_semaphore(%run_scoped3A : memref<!tpu.dma_semaphore, #tpu.memory_space<semaphore_mem>>)
      %dma_wait3A_437 = arith.constant 0 : i32
      %dma_wait3A_438 = tpu.memref_slice %arg4[%add3A_87, %dma_wait3A_437] : memref<82944x128xf32, #tpu.memory_space<hbm>> -> memref<96x128xf32, #tpu.memory_space<hbm>>
      %dma_wait3A_439 = arith.constant 0 : i32
      %dma_wait3A_440 = tpu.memref_slice %arg4[%add3A_87, %dma_wait3A_439] : memref<82944x128xf32, #tpu.memory_space<hbm>> -> memref<96x128xf32, #tpu.memory_space<hbm>>
      tpu.wait_dma2 semaphore(%run_scoped3A : memref<!tpu.dma_semaphore, #tpu.memory_space<semaphore_mem>>) src(%arg6 : memref<96x128xf32, #tpu.memory_space<vmem>>) dst(%dma_wait3A_440 : memref<96x128xf32, #tpu.memory_space<hbm>>)
      tpu.yield
    }) : () -> ()
    %dma_start3A_88 = arith.constant 6 : i32
    %dma_start3A_89 = arith.constant 0 : i32
    %dma_start3A_90 = tpu.memref_slice %arg5[%dma_start3A_88, %dma_start3A_89] : memref<27x96xi32, #tpu.memory_space<vmem>> -> memref<1x96xi32, #tpu.memory_space<vmem>>
    %dma_start3A_91 = tpu.memref_squeeze %dma_start3A_90 : memref<1x96xi32, #tpu.memory_space<vmem>> -> memref<96xi32, #tpu.memory_space<vmem>>
    %dma_start3A_92 = arith.constant 0 : i32
    %dma_start3A_93 = arith.constant 0 : i32
    %dma_start3A_94 = tpu.memref_slice %arg2[%dma_start3A_92, %dma_start3A_93] : memref<9216x128xf32, #tpu.memory_space<hbm>> -> memref<9216x128xf32, #tpu.memory_space<hbm>>
    tpu.enqueue_indirect_dma source(%dma_start3A_94 : memref<9216x128xf32, #tpu.memory_space<hbm>>) target(%arg6 : memref<96x128xf32, #tpu.memory_space<vmem>>) offsets(%dma_start3A_91 : memref<96xi32, #tpu.memory_space<vmem>>) semaphore(%arg8 : memref<!tpu.dma_semaphore, #tpu.memory_space<semaphore_mem>>)
    %dma_wait3A_95 = arith.constant 5 : i32
    %dma_wait3A_96 = arith.constant 0 : i32
    %dma_wait3A_97 = tpu.memref_slice %arg5[%dma_wait3A_95, %dma_wait3A_96] : memref<27x96xi32, #tpu.memory_space<vmem>> -> memref<1x96xi32, #tpu.memory_space<vmem>>
    %dma_wait3A_98 = tpu.memref_squeeze %dma_wait3A_97 : memref<1x96xi32, #tpu.memory_space<vmem>> -> memref<96xi32, #tpu.memory_space<vmem>>
    %dma_wait3A_99 = arith.constant 0 : i32
    %dma_wait3A_100 = arith.constant 0 : i32
    %dma_wait3A_101 = tpu.memref_slice %arg2[%dma_wait3A_99, %dma_wait3A_100] : memref<9216x128xf32, #tpu.memory_space<hbm>> -> memref<9216x128xf32, #tpu.memory_space<hbm>>
    tpu.wait_indirect_dma semaphore(%arg9 : memref<!tpu.dma_semaphore, #tpu.memory_space<semaphore_mem>>) src(%dma_wait3A_101 : memref<9216x128xf32, #tpu.memory_space<hbm>>) dst(%arg7 : memref<96x128xf32, #tpu.memory_space<vmem>>)
    %add3A_102 = arith.constant 480 : i32
    %add3A_103 = arith.addi %mul3A_2, %add3A_102 : i32
    "tpu.region"() ({
      %run_scoped3A = tpu.sem_alloc : memref<!tpu.dma_semaphore, #tpu.memory_space<semaphore_mem>>
      %dma_start3A_433 = arith.constant 0 : i32
      %dma_start3A_434 = tpu.memref_slice %arg4[%add3A_103, %dma_start3A_433] : memref<82944x128xf32, #tpu.memory_space<hbm>> -> memref<96x128xf32, #tpu.memory_space<hbm>>
      %dma_start3A_435 = arith.constant 0 : i32
      %dma_start3A_436 = tpu.memref_slice %arg4[%add3A_103, %dma_start3A_435] : memref<82944x128xf32, #tpu.memory_space<hbm>> -> memref<96x128xf32, #tpu.memory_space<hbm>>
      tpu.enqueue_dma source(%arg7 : memref<96x128xf32, #tpu.memory_space<vmem>>) target(%dma_start3A_436 : memref<96x128xf32, #tpu.memory_space<hbm>>) target_semaphore(%run_scoped3A : memref<!tpu.dma_semaphore, #tpu.memory_space<semaphore_mem>>)
      %dma_wait3A_437 = arith.constant 0 : i32
      %dma_wait3A_438 = tpu.memref_slice %arg4[%add3A_103, %dma_wait3A_437] : memref<82944x128xf32, #tpu.memory_space<hbm>> -> memref<96x128xf32, #tpu.memory_space<hbm>>
      %dma_wait3A_439 = arith.constant 0 : i32
      %dma_wait3A_440 = tpu.memref_slice %arg4[%add3A_103, %dma_wait3A_439] : memref<82944x128xf32, #tpu.memory_space<hbm>> -> memref<96x128xf32, #tpu.memory_space<hbm>>
      tpu.wait_dma2 semaphore(%run_scoped3A : memref<!tpu.dma_semaphore, #tpu.memory_space<semaphore_mem>>) src(%arg7 : memref<96x128xf32, #tpu.memory_space<vmem>>) dst(%dma_wait3A_440 : memref<96x128xf32, #tpu.memory_space<hbm>>)
      tpu.yield
    }) : () -> ()
    %dma_start3A_104 = arith.constant 7 : i32
    %dma_start3A_105 = arith.constant 0 : i32
    %dma_start3A_106 = tpu.memref_slice %arg5[%dma_start3A_104, %dma_start3A_105] : memref<27x96xi32, #tpu.memory_space<vmem>> -> memref<1x96xi32, #tpu.memory_space<vmem>>
    %dma_start3A_107 = tpu.memref_squeeze %dma_start3A_106 : memref<1x96xi32, #tpu.memory_space<vmem>> -> memref<96xi32, #tpu.memory_space<vmem>>
    %dma_start3A_108 = arith.constant 0 : i32
    %dma_start3A_109 = arith.constant 0 : i32
    %dma_start3A_110 = tpu.memref_slice %arg2[%dma_start3A_108, %dma_start3A_109] : memref<9216x128xf32, #tpu.memory_space<hbm>> -> memref<9216x128xf32, #tpu.memory_space<hbm>>
    tpu.enqueue_indirect_dma source(%dma_start3A_110 : memref<9216x128xf32, #tpu.memory_space<hbm>>) target(%arg7 : memref<96x128xf32, #tpu.memory_space<vmem>>) offsets(%dma_start3A_107 : memref<96xi32, #tpu.memory_space<vmem>>) semaphore(%arg9 : memref<!tpu.dma_semaphore, #tpu.memory_space<semaphore_mem>>)
    %dma_wait3A_111 = arith.constant 6 : i32
    %dma_wait3A_112 = arith.constant 0 : i32
    %dma_wait3A_113 = tpu.memref_slice %arg5[%dma_wait3A_111, %dma_wait3A_112] : memref<27x96xi32, #tpu.memory_space<vmem>> -> memref<1x96xi32, #tpu.memory_space<vmem>>
    %dma_wait3A_114 = tpu.memref_squeeze %dma_wait3A_113 : memref<1x96xi32, #tpu.memory_space<vmem>> -> memref<96xi32, #tpu.memory_space<vmem>>
    %dma_wait3A_115 = arith.constant 0 : i32
    %dma_wait3A_116 = arith.constant 0 : i32
    %dma_wait3A_117 = tpu.memref_slice %arg2[%dma_wait3A_115, %dma_wait3A_116] : memref<9216x128xf32, #tpu.memory_space<hbm>> -> memref<9216x128xf32, #tpu.memory_space<hbm>>
    tpu.wait_indirect_dma semaphore(%arg8 : memref<!tpu.dma_semaphore, #tpu.memory_space<semaphore_mem>>) src(%dma_wait3A_117 : memref<9216x128xf32, #tpu.memory_space<hbm>>) dst(%arg6 : memref<96x128xf32, #tpu.memory_space<vmem>>)
    %add3A_118 = arith.constant 576 : i32
    %add3A_119 = arith.addi %mul3A_2, %add3A_118 : i32
    "tpu.region"() ({
      %run_scoped3A = tpu.sem_alloc : memref<!tpu.dma_semaphore, #tpu.memory_space<semaphore_mem>>
      %dma_start3A_433 = arith.constant 0 : i32
      %dma_start3A_434 = tpu.memref_slice %arg4[%add3A_119, %dma_start3A_433] : memref<82944x128xf32, #tpu.memory_space<hbm>> -> memref<96x128xf32, #tpu.memory_space<hbm>>
      %dma_start3A_435 = arith.constant 0 : i32
      %dma_start3A_436 = tpu.memref_slice %arg4[%add3A_119, %dma_start3A_435] : memref<82944x128xf32, #tpu.memory_space<hbm>> -> memref<96x128xf32, #tpu.memory_space<hbm>>
      tpu.enqueue_dma source(%arg6 : memref<96x128xf32, #tpu.memory_space<vmem>>) target(%dma_start3A_436 : memref<96x128xf32, #tpu.memory_space<hbm>>) target_semaphore(%run_scoped3A : memref<!tpu.dma_semaphore, #tpu.memory_space<semaphore_mem>>)
      %dma_wait3A_437 = arith.constant 0 : i32
      %dma_wait3A_438 = tpu.memref_slice %arg4[%add3A_119, %dma_wait3A_437] : memref<82944x128xf32, #tpu.memory_space<hbm>> -> memref<96x128xf32, #tpu.memory_space<hbm>>
      %dma_wait3A_439 = arith.constant 0 : i32
      %dma_wait3A_440 = tpu.memref_slice %arg4[%add3A_119, %dma_wait3A_439] : memref<82944x128xf32, #tpu.memory_space<hbm>> -> memref<96x128xf32, #tpu.memory_space<hbm>>
      tpu.wait_dma2 semaphore(%run_scoped3A : memref<!tpu.dma_semaphore, #tpu.memory_space<semaphore_mem>>) src(%arg6 : memref<96x128xf32, #tpu.memory_space<vmem>>) dst(%dma_wait3A_440 : memref<96x128xf32, #tpu.memory_space<hbm>>)
      tpu.yield
    }) : () -> ()
    %dma_start3A_120 = arith.constant 8 : i32
    %dma_start3A_121 = arith.constant 0 : i32
    %dma_start3A_122 = tpu.memref_slice %arg5[%dma_start3A_120, %dma_start3A_121] : memref<27x96xi32, #tpu.memory_space<vmem>> -> memref<1x96xi32, #tpu.memory_space<vmem>>
    %dma_start3A_123 = tpu.memref_squeeze %dma_start3A_122 : memref<1x96xi32, #tpu.memory_space<vmem>> -> memref<96xi32, #tpu.memory_space<vmem>>
    %dma_start3A_124 = arith.constant 0 : i32
    %dma_start3A_125 = arith.constant 0 : i32
    %dma_start3A_126 = tpu.memref_slice %arg2[%dma_start3A_124, %dma_start3A_125] : memref<9216x128xf32, #tpu.memory_space<hbm>> -> memref<9216x128xf32, #tpu.memory_space<hbm>>
    tpu.enqueue_indirect_dma source(%dma_start3A_126 : memref<9216x128xf32, #tpu.memory_space<hbm>>) target(%arg6 : memref<96x128xf32, #tpu.memory_space<vmem>>) offsets(%dma_start3A_123 : memref<96xi32, #tpu.memory_space<vmem>>) semaphore(%arg8 : memref<!tpu.dma_semaphore, #tpu.memory_space<semaphore_mem>>)
    %dma_wait3A_127 = arith.constant 7 : i32
    %dma_wait3A_128 = arith.constant 0 : i32
    %dma_wait3A_129 = tpu.memref_slice %arg5[%dma_wait3A_127, %dma_wait3A_128] : memref<27x96xi32, #tpu.memory_space<vmem>> -> memref<1x96xi32, #tpu.memory_space<vmem>>
    %dma_wait3A_130 = tpu.memref_squeeze %dma_wait3A_129 : memref<1x96xi32, #tpu.memory_space<vmem>> -> memref<96xi32, #tpu.memory_space<vmem>>
    %dma_wait3A_131 = arith.constant 0 : i32
    %dma_wait3A_132 = arith.constant 0 : i32
    %dma_wait3A_133 = tpu.memref_slice %arg2[%dma_wait3A_131, %dma_wait3A_132] : memref<9216x128xf32, #tpu.memory_space<hbm>> -> memref<9216x128xf32, #tpu.memory_space<hbm>>
    tpu.wait_indirect_dma semaphore(%arg9 : memref<!tpu.dma_semaphore, #tpu.memory_space<semaphore_mem>>) src(%dma_wait3A_133 : memref<9216x128xf32, #tpu.memory_space<hbm>>) dst(%arg7 : memref<96x128xf32, #tpu.memory_space<vmem>>)
    %add3A_134 = arith.constant 672 : i32
    %add3A_135 = arith.addi %mul3A_2, %add3A_134 : i32
    "tpu.region"() ({
      %run_scoped3A = tpu.sem_alloc : memref<!tpu.dma_semaphore, #tpu.memory_space<semaphore_mem>>
      %dma_start3A_433 = arith.constant 0 : i32
      %dma_start3A_434 = tpu.memref_slice %arg4[%add3A_135, %dma_start3A_433] : memref<82944x128xf32, #tpu.memory_space<hbm>> -> memref<96x128xf32, #tpu.memory_space<hbm>>
      %dma_start3A_435 = arith.constant 0 : i32
      %dma_start3A_436 = tpu.memref_slice %arg4[%add3A_135, %dma_start3A_435] : memref<82944x128xf32, #tpu.memory_space<hbm>> -> memref<96x128xf32, #tpu.memory_space<hbm>>
      tpu.enqueue_dma source(%arg7 : memref<96x128xf32, #tpu.memory_space<vmem>>) target(%dma_start3A_436 : memref<96x128xf32, #tpu.memory_space<hbm>>) target_semaphore(%run_scoped3A : memref<!tpu.dma_semaphore, #tpu.memory_space<semaphore_mem>>)
      %dma_wait3A_437 = arith.constant 0 : i32
      %dma_wait3A_438 = tpu.memref_slice %arg4[%add3A_135, %dma_wait3A_437] : memref<82944x128xf32, #tpu.memory_space<hbm>> -> memref<96x128xf32, #tpu.memory_space<hbm>>
      %dma_wait3A_439 = arith.constant 0 : i32
      %dma_wait3A_440 = tpu.memref_slice %arg4[%add3A_135, %dma_wait3A_439] : memref<82944x128xf32, #tpu.memory_space<hbm>> -> memref<96x128xf32, #tpu.memory_space<hbm>>
      tpu.wait_dma2 semaphore(%run_scoped3A : memref<!tpu.dma_semaphore, #tpu.memory_space<semaphore_mem>>) src(%arg7 : memref<96x128xf32, #tpu.memory_space<vmem>>) dst(%dma_wait3A_440 : memref<96x128xf32, #tpu.memory_space<hbm>>)
      tpu.yield
    }) : () -> ()
    %dma_start3A_136 = arith.constant 9 : i32
    %dma_start3A_137 = arith.constant 0 : i32
    %dma_start3A_138 = tpu.memref_slice %arg5[%dma_start3A_136, %dma_start3A_137] : memref<27x96xi32, #tpu.memory_space<vmem>> -> memref<1x96xi32, #tpu.memory_space<vmem>>
    %dma_start3A_139 = tpu.memref_squeeze %dma_start3A_138 : memref<1x96xi32, #tpu.memory_space<vmem>> -> memref<96xi32, #tpu.memory_space<vmem>>
    %dma_start3A_140 = arith.constant 0 : i32
    %dma_start3A_141 = arith.constant 0 : i32
    %dma_start3A_142 = tpu.memref_slice %arg2[%dma_start3A_140, %dma_start3A_141] : memref<9216x128xf32, #tpu.memory_space<hbm>> -> memref<9216x128xf32, #tpu.memory_space<hbm>>
    tpu.enqueue_indirect_dma source(%dma_start3A_142 : memref<9216x128xf32, #tpu.memory_space<hbm>>) target(%arg7 : memref<96x128xf32, #tpu.memory_space<vmem>>) offsets(%dma_start3A_139 : memref<96xi32, #tpu.memory_space<vmem>>) semaphore(%arg9 : memref<!tpu.dma_semaphore, #tpu.memory_space<semaphore_mem>>)
    %dma_wait3A_143 = arith.constant 8 : i32
    %dma_wait3A_144 = arith.constant 0 : i32
    %dma_wait3A_145 = tpu.memref_slice %arg5[%dma_wait3A_143, %dma_wait3A_144] : memref<27x96xi32, #tpu.memory_space<vmem>> -> memref<1x96xi32, #tpu.memory_space<vmem>>
    %dma_wait3A_146 = tpu.memref_squeeze %dma_wait3A_145 : memref<1x96xi32, #tpu.memory_space<vmem>> -> memref<96xi32, #tpu.memory_space<vmem>>
    %dma_wait3A_147 = arith.constant 0 : i32
    %dma_wait3A_148 = arith.constant 0 : i32
    %dma_wait3A_149 = tpu.memref_slice %arg2[%dma_wait3A_147, %dma_wait3A_148] : memref<9216x128xf32, #tpu.memory_space<hbm>> -> memref<9216x128xf32, #tpu.memory_space<hbm>>
    tpu.wait_indirect_dma semaphore(%arg8 : memref<!tpu.dma_semaphore, #tpu.memory_space<semaphore_mem>>) src(%dma_wait3A_149 : memref<9216x128xf32, #tpu.memory_space<hbm>>) dst(%arg6 : memref<96x128xf32, #tpu.memory_space<vmem>>)
    %add3A_150 = arith.constant 768 : i32
    %add3A_151 = arith.addi %mul3A_2, %add3A_150 : i32
    "tpu.region"() ({
      %run_scoped3A = tpu.sem_alloc : memref<!tpu.dma_semaphore, #tpu.memory_space<semaphore_mem>>
      %dma_start3A_433 = arith.constant 0 : i32
      %dma_start3A_434 = tpu.memref_slice %arg4[%add3A_151, %dma_start3A_433] : memref<82944x128xf32, #tpu.memory_space<hbm>> -> memref<96x128xf32, #tpu.memory_space<hbm>>
      %dma_start3A_435 = arith.constant 0 : i32
      %dma_start3A_436 = tpu.memref_slice %arg4[%add3A_151, %dma_start3A_435] : memref<82944x128xf32, #tpu.memory_space<hbm>> -> memref<96x128xf32, #tpu.memory_space<hbm>>
      tpu.enqueue_dma source(%arg6 : memref<96x128xf32, #tpu.memory_space<vmem>>) target(%dma_start3A_436 : memref<96x128xf32, #tpu.memory_space<hbm>>) target_semaphore(%run_scoped3A : memref<!tpu.dma_semaphore, #tpu.memory_space<semaphore_mem>>)
      %dma_wait3A_437 = arith.constant 0 : i32
      %dma_wait3A_438 = tpu.memref_slice %arg4[%add3A_151, %dma_wait3A_437] : memref<82944x128xf32, #tpu.memory_space<hbm>> -> memref<96x128xf32, #tpu.memory_space<hbm>>
      %dma_wait3A_439 = arith.constant 0 : i32
      %dma_wait3A_440 = tpu.memref_slice %arg4[%add3A_151, %dma_wait3A_439] : memref<82944x128xf32, #tpu.memory_space<hbm>> -> memref<96x128xf32, #tpu.memory_space<hbm>>
      tpu.wait_dma2 semaphore(%run_scoped3A : memref<!tpu.dma_semaphore, #tpu.memory_space<semaphore_mem>>) src(%arg6 : memref<96x128xf32, #tpu.memory_space<vmem>>) dst(%dma_wait3A_440 : memref<96x128xf32, #tpu.memory_space<hbm>>)
      tpu.yield
    }) : () -> ()
    %dma_start3A_152 = arith.constant 10 : i32
    %dma_start3A_153 = arith.constant 0 : i32
    %dma_start3A_154 = tpu.memref_slice %arg5[%dma_start3A_152, %dma_start3A_153] : memref<27x96xi32, #tpu.memory_space<vmem>> -> memref<1x96xi32, #tpu.memory_space<vmem>>
    %dma_start3A_155 = tpu.memref_squeeze %dma_start3A_154 : memref<1x96xi32, #tpu.memory_space<vmem>> -> memref<96xi32, #tpu.memory_space<vmem>>
    %dma_start3A_156 = arith.constant 0 : i32
    %dma_start3A_157 = arith.constant 0 : i32
    %dma_start3A_158 = tpu.memref_slice %arg2[%dma_start3A_156, %dma_start3A_157] : memref<9216x128xf32, #tpu.memory_space<hbm>> -> memref<9216x128xf32, #tpu.memory_space<hbm>>
    tpu.enqueue_indirect_dma source(%dma_start3A_158 : memref<9216x128xf32, #tpu.memory_space<hbm>>) target(%arg6 : memref<96x128xf32, #tpu.memory_space<vmem>>) offsets(%dma_start3A_155 : memref<96xi32, #tpu.memory_space<vmem>>) semaphore(%arg8 : memref<!tpu.dma_semaphore, #tpu.memory_space<semaphore_mem>>)
    %dma_wait3A_159 = arith.constant 9 : i32
    %dma_wait3A_160 = arith.constant 0 : i32
    %dma_wait3A_161 = tpu.memref_slice %arg5[%dma_wait3A_159, %dma_wait3A_160] : memref<27x96xi32, #tpu.memory_space<vmem>> -> memref<1x96xi32, #tpu.memory_space<vmem>>
    %dma_wait3A_162 = tpu.memref_squeeze %dma_wait3A_161 : memref<1x96xi32, #tpu.memory_space<vmem>> -> memref<96xi32, #tpu.memory_space<vmem>>
    %dma_wait3A_163 = arith.constant 0 : i32
    %dma_wait3A_164 = arith.constant 0 : i32
    %dma_wait3A_165 = tpu.memref_slice %arg2[%dma_wait3A_163, %dma_wait3A_164] : memref<9216x128xf32, #tpu.memory_space<hbm>> -> memref<9216x128xf32, #tpu.memory_space<hbm>>
    tpu.wait_indirect_dma semaphore(%arg9 : memref<!tpu.dma_semaphore, #tpu.memory_space<semaphore_mem>>) src(%dma_wait3A_165 : memref<9216x128xf32, #tpu.memory_space<hbm>>) dst(%arg7 : memref<96x128xf32, #tpu.memory_space<vmem>>)
    %add3A_166 = arith.constant 864 : i32
    %add3A_167 = arith.addi %mul3A_2, %add3A_166 : i32
    "tpu.region"() ({
      %run_scoped3A = tpu.sem_alloc : memref<!tpu.dma_semaphore, #tpu.memory_space<semaphore_mem>>
      %dma_start3A_433 = arith.constant 0 : i32
      %dma_start3A_434 = tpu.memref_slice %arg4[%add3A_167, %dma_start3A_433] : memref<82944x128xf32, #tpu.memory_space<hbm>> -> memref<96x128xf32, #tpu.memory_space<hbm>>
      %dma_start3A_435 = arith.constant 0 : i32
      %dma_start3A_436 = tpu.memref_slice %arg4[%add3A_167, %dma_start3A_435] : memref<82944x128xf32, #tpu.memory_space<hbm>> -> memref<96x128xf32, #tpu.memory_space<hbm>>
      tpu.enqueue_dma source(%arg7 : memref<96x128xf32, #tpu.memory_space<vmem>>) target(%dma_start3A_436 : memref<96x128xf32, #tpu.memory_space<hbm>>) target_semaphore(%run_scoped3A : memref<!tpu.dma_semaphore, #tpu.memory_space<semaphore_mem>>)
      %dma_wait3A_437 = arith.constant 0 : i32
      %dma_wait3A_438 = tpu.memref_slice %arg4[%add3A_167, %dma_wait3A_437] : memref<82944x128xf32, #tpu.memory_space<hbm>> -> memref<96x128xf32, #tpu.memory_space<hbm>>
      %dma_wait3A_439 = arith.constant 0 : i32
      %dma_wait3A_440 = tpu.memref_slice %arg4[%add3A_167, %dma_wait3A_439] : memref<82944x128xf32, #tpu.memory_space<hbm>> -> memref<96x128xf32, #tpu.memory_space<hbm>>
      tpu.wait_dma2 semaphore(%run_scoped3A : memref<!tpu.dma_semaphore, #tpu.memory_space<semaphore_mem>>) src(%arg7 : memref<96x128xf32, #tpu.memory_space<vmem>>) dst(%dma_wait3A_440 : memref<96x128xf32, #tpu.memory_space<hbm>>)
      tpu.yield
    }) : () -> ()
    %dma_start3A_168 = arith.constant 11 : i32
    %dma_start3A_169 = arith.constant 0 : i32
    %dma_start3A_170 = tpu.memref_slice %arg5[%dma_start3A_168, %dma_start3A_169] : memref<27x96xi32, #tpu.memory_space<vmem>> -> memref<1x96xi32, #tpu.memory_space<vmem>>
    %dma_start3A_171 = tpu.memref_squeeze %dma_start3A_170 : memref<1x96xi32, #tpu.memory_space<vmem>> -> memref<96xi32, #tpu.memory_space<vmem>>
    %dma_start3A_172 = arith.constant 0 : i32
    %dma_start3A_173 = arith.constant 0 : i32
    %dma_start3A_174 = tpu.memref_slice %arg2[%dma_start3A_172, %dma_start3A_173] : memref<9216x128xf32, #tpu.memory_space<hbm>> -> memref<9216x128xf32, #tpu.memory_space<hbm>>
    tpu.enqueue_indirect_dma source(%dma_start3A_174 : memref<9216x128xf32, #tpu.memory_space<hbm>>) target(%arg7 : memref<96x128xf32, #tpu.memory_space<vmem>>) offsets(%dma_start3A_171 : memref<96xi32, #tpu.memory_space<vmem>>) semaphore(%arg9 : memref<!tpu.dma_semaphore, #tpu.memory_space<semaphore_mem>>)
    %dma_wait3A_175 = arith.constant 10 : i32
    %dma_wait3A_176 = arith.constant 0 : i32
    %dma_wait3A_177 = tpu.memref_slice %arg5[%dma_wait3A_175, %dma_wait3A_176] : memref<27x96xi32, #tpu.memory_space<vmem>> -> memref<1x96xi32, #tpu.memory_space<vmem>>
    %dma_wait3A_178 = tpu.memref_squeeze %dma_wait3A_177 : memref<1x96xi32, #tpu.memory_space<vmem>> -> memref<96xi32, #tpu.memory_space<vmem>>
    %dma_wait3A_179 = arith.constant 0 : i32
    %dma_wait3A_180 = arith.constant 0 : i32
    %dma_wait3A_181 = tpu.memref_slice %arg2[%dma_wait3A_179, %dma_wait3A_180] : memref<9216x128xf32, #tpu.memory_space<hbm>> -> memref<9216x128xf32, #tpu.memory_space<hbm>>
    tpu.wait_indirect_dma semaphore(%arg8 : memref<!tpu.dma_semaphore, #tpu.memory_space<semaphore_mem>>) src(%dma_wait3A_181 : memref<9216x128xf32, #tpu.memory_space<hbm>>) dst(%arg6 : memref<96x128xf32, #tpu.memory_space<vmem>>)
    %add3A_182 = arith.constant 960 : i32
    %add3A_183 = arith.addi %mul3A_2, %add3A_182 : i32
    "tpu.region"() ({
      %run_scoped3A = tpu.sem_alloc : memref<!tpu.dma_semaphore, #tpu.memory_space<semaphore_mem>>
      %dma_start3A_433 = arith.constant 0 : i32
      %dma_start3A_434 = tpu.memref_slice %arg4[%add3A_183, %dma_start3A_433] : memref<82944x128xf32, #tpu.memory_space<hbm>> -> memref<96x128xf32, #tpu.memory_space<hbm>>
      %dma_start3A_435 = arith.constant 0 : i32
      %dma_start3A_436 = tpu.memref_slice %arg4[%add3A_183, %dma_start3A_435] : memref<82944x128xf32, #tpu.memory_space<hbm>> -> memref<96x128xf32, #tpu.memory_space<hbm>>
      tpu.enqueue_dma source(%arg6 : memref<96x128xf32, #tpu.memory_space<vmem>>) target(%dma_start3A_436 : memref<96x128xf32, #tpu.memory_space<hbm>>) target_semaphore(%run_scoped3A : memref<!tpu.dma_semaphore, #tpu.memory_space<semaphore_mem>>)
      %dma_wait3A_437 = arith.constant 0 : i32
      %dma_wait3A_438 = tpu.memref_slice %arg4[%add3A_183, %dma_wait3A_437] : memref<82944x128xf32, #tpu.memory_space<hbm>> -> memref<96x128xf32, #tpu.memory_space<hbm>>
      %dma_wait3A_439 = arith.constant 0 : i32
      %dma_wait3A_440 = tpu.memref_slice %arg4[%add3A_183, %dma_wait3A_439] : memref<82944x128xf32, #tpu.memory_space<hbm>> -> memref<96x128xf32, #tpu.memory_space<hbm>>
      tpu.wait_dma2 semaphore(%run_scoped3A : memref<!tpu.dma_semaphore, #tpu.memory_space<semaphore_mem>>) src(%arg6 : memref<96x128xf32, #tpu.memory_space<vmem>>) dst(%dma_wait3A_440 : memref<96x128xf32, #tpu.memory_space<hbm>>)
      tpu.yield
    }) : () -> ()
    %dma_start3A_184 = arith.constant 12 : i32
    %dma_start3A_185 = arith.constant 0 : i32
    %dma_start3A_186 = tpu.memref_slice %arg5[%dma_start3A_184, %dma_start3A_185] : memref<27x96xi32, #tpu.memory_space<vmem>> -> memref<1x96xi32, #tpu.memory_space<vmem>>
    %dma_start3A_187 = tpu.memref_squeeze %dma_start3A_186 : memref<1x96xi32, #tpu.memory_space<vmem>> -> memref<96xi32, #tpu.memory_space<vmem>>
    %dma_start3A_188 = arith.constant 0 : i32
    %dma_start3A_189 = arith.constant 0 : i32
    %dma_start3A_190 = tpu.memref_slice %arg2[%dma_start3A_188, %dma_start3A_189] : memref<9216x128xf32, #tpu.memory_space<hbm>> -> memref<9216x128xf32, #tpu.memory_space<hbm>>
    tpu.enqueue_indirect_dma source(%dma_start3A_190 : memref<9216x128xf32, #tpu.memory_space<hbm>>) target(%arg6 : memref<96x128xf32, #tpu.memory_space<vmem>>) offsets(%dma_start3A_187 : memref<96xi32, #tpu.memory_space<vmem>>) semaphore(%arg8 : memref<!tpu.dma_semaphore, #tpu.memory_space<semaphore_mem>>)
    %dma_wait3A_191 = arith.constant 11 : i32
    %dma_wait3A_192 = arith.constant 0 : i32
    %dma_wait3A_193 = tpu.memref_slice %arg5[%dma_wait3A_191, %dma_wait3A_192] : memref<27x96xi32, #tpu.memory_space<vmem>> -> memref<1x96xi32, #tpu.memory_space<vmem>>
    %dma_wait3A_194 = tpu.memref_squeeze %dma_wait3A_193 : memref<1x96xi32, #tpu.memory_space<vmem>> -> memref<96xi32, #tpu.memory_space<vmem>>
    %dma_wait3A_195 = arith.constant 0 : i32
    %dma_wait3A_196 = arith.constant 0 : i32
    %dma_wait3A_197 = tpu.memref_slice %arg2[%dma_wait3A_195, %dma_wait3A_196] : memref<9216x128xf32, #tpu.memory_space<hbm>> -> memref<9216x128xf32, #tpu.memory_space<hbm>>
    tpu.wait_indirect_dma semaphore(%arg9 : memref<!tpu.dma_semaphore, #tpu.memory_space<semaphore_mem>>) src(%dma_wait3A_197 : memref<9216x128xf32, #tpu.memory_space<hbm>>) dst(%arg7 : memref<96x128xf32, #tpu.memory_space<vmem>>)
    %add3A_198 = arith.constant 1056 : i32
    %add3A_199 = arith.addi %mul3A_2, %add3A_198 : i32
    "tpu.region"() ({
      %run_scoped3A = tpu.sem_alloc : memref<!tpu.dma_semaphore, #tpu.memory_space<semaphore_mem>>
      %dma_start3A_433 = arith.constant 0 : i32
      %dma_start3A_434 = tpu.memref_slice %arg4[%add3A_199, %dma_start3A_433] : memref<82944x128xf32, #tpu.memory_space<hbm>> -> memref<96x128xf32, #tpu.memory_space<hbm>>
      %dma_start3A_435 = arith.constant 0 : i32
      %dma_start3A_436 = tpu.memref_slice %arg4[%add3A_199, %dma_start3A_435] : memref<82944x128xf32, #tpu.memory_space<hbm>> -> memref<96x128xf32, #tpu.memory_space<hbm>>
      tpu.enqueue_dma source(%arg7 : memref<96x128xf32, #tpu.memory_space<vmem>>) target(%dma_start3A_436 : memref<96x128xf32, #tpu.memory_space<hbm>>) target_semaphore(%run_scoped3A : memref<!tpu.dma_semaphore, #tpu.memory_space<semaphore_mem>>)
      %dma_wait3A_437 = arith.constant 0 : i32
      %dma_wait3A_438 = tpu.memref_slice %arg4[%add3A_199, %dma_wait3A_437] : memref<82944x128xf32, #tpu.memory_space<hbm>> -> memref<96x128xf32, #tpu.memory_space<hbm>>
      %dma_wait3A_439 = arith.constant 0 : i32
      %dma_wait3A_440 = tpu.memref_slice %arg4[%add3A_199, %dma_wait3A_439] : memref<82944x128xf32, #tpu.memory_space<hbm>> -> memref<96x128xf32, #tpu.memory_space<hbm>>
      tpu.wait_dma2 semaphore(%run_scoped3A : memref<!tpu.dma_semaphore, #tpu.memory_space<semaphore_mem>>) src(%arg7 : memref<96x128xf32, #tpu.memory_space<vmem>>) dst(%dma_wait3A_440 : memref<96x128xf32, #tpu.memory_space<hbm>>)
      tpu.yield
    }) : () -> ()
    %dma_start3A_200 = arith.constant 13 : i32
    %dma_start3A_201 = arith.constant 0 : i32
    %dma_start3A_202 = tpu.memref_slice %arg5[%dma_start3A_200, %dma_start3A_201] : memref<27x96xi32, #tpu.memory_space<vmem>> -> memref<1x96xi32, #tpu.memory_space<vmem>>
    %dma_start3A_203 = tpu.memref_squeeze %dma_start3A_202 : memref<1x96xi32, #tpu.memory_space<vmem>> -> memref<96xi32, #tpu.memory_space<vmem>>
    %dma_start3A_204 = arith.constant 0 : i32
    %dma_start3A_205 = arith.constant 0 : i32
    %dma_start3A_206 = tpu.memref_slice %arg2[%dma_start3A_204, %dma_start3A_205] : memref<9216x128xf32, #tpu.memory_space<hbm>> -> memref<9216x128xf32, #tpu.memory_space<hbm>>
    tpu.enqueue_indirect_dma source(%dma_start3A_206 : memref<9216x128xf32, #tpu.memory_space<hbm>>) target(%arg7 : memref<96x128xf32, #tpu.memory_space<vmem>>) offsets(%dma_start3A_203 : memref<96xi32, #tpu.memory_space<vmem>>) semaphore(%arg9 : memref<!tpu.dma_semaphore, #tpu.memory_space<semaphore_mem>>)
    %dma_wait3A_207 = arith.constant 12 : i32
    %dma_wait3A_208 = arith.constant 0 : i32
    %dma_wait3A_209 = tpu.memref_slice %arg5[%dma_wait3A_207, %dma_wait3A_208] : memref<27x96xi32, #tpu.memory_space<vmem>> -> memref<1x96xi32, #tpu.memory_space<vmem>>
    %dma_wait3A_210 = tpu.memref_squeeze %dma_wait3A_209 : memref<1x96xi32, #tpu.memory_space<vmem>> -> memref<96xi32, #tpu.memory_space<vmem>>
    %dma_wait3A_211 = arith.constant 0 : i32
    %dma_wait3A_212 = arith.constant 0 : i32
    %dma_wait3A_213 = tpu.memref_slice %arg2[%dma_wait3A_211, %dma_wait3A_212] : memref<9216x128xf32, #tpu.memory_space<hbm>> -> memref<9216x128xf32, #tpu.memory_space<hbm>>
    tpu.wait_indirect_dma semaphore(%arg8 : memref<!tpu.dma_semaphore, #tpu.memory_space<semaphore_mem>>) src(%dma_wait3A_213 : memref<9216x128xf32, #tpu.memory_space<hbm>>) dst(%arg6 : memref<96x128xf32, #tpu.memory_space<vmem>>)
    %add3A_214 = arith.constant 1152 : i32
    %add3A_215 = arith.addi %mul3A_2, %add3A_214 : i32
    "tpu.region"() ({
      %run_scoped3A = tpu.sem_alloc : memref<!tpu.dma_semaphore, #tpu.memory_space<semaphore_mem>>
      %dma_start3A_433 = arith.constant 0 : i32
      %dma_start3A_434 = tpu.memref_slice %arg4[%add3A_215, %dma_start3A_433] : memref<82944x128xf32, #tpu.memory_space<hbm>> -> memref<96x128xf32, #tpu.memory_space<hbm>>
      %dma_start3A_435 = arith.constant 0 : i32
      %dma_start3A_436 = tpu.memref_slice %arg4[%add3A_215, %dma_start3A_435] : memref<82944x128xf32, #tpu.memory_space<hbm>> -> memref<96x128xf32, #tpu.memory_space<hbm>>
      tpu.enqueue_dma source(%arg6 : memref<96x128xf32, #tpu.memory_space<vmem>>) target(%dma_start3A_436 : memref<96x128xf32, #tpu.memory_space<hbm>>) target_semaphore(%run_scoped3A : memref<!tpu.dma_semaphore, #tpu.memory_space<semaphore_mem>>)
      %dma_wait3A_437 = arith.constant 0 : i32
      %dma_wait3A_438 = tpu.memref_slice %arg4[%add3A_215, %dma_wait3A_437] : memref<82944x128xf32, #tpu.memory_space<hbm>> -> memref<96x128xf32, #tpu.memory_space<hbm>>
      %dma_wait3A_439 = arith.constant 0 : i32
      %dma_wait3A_440 = tpu.memref_slice %arg4[%add3A_215, %dma_wait3A_439] : memref<82944x128xf32, #tpu.memory_space<hbm>> -> memref<96x128xf32, #tpu.memory_space<hbm>>
      tpu.wait_dma2 semaphore(%run_scoped3A : memref<!tpu.dma_semaphore, #tpu.memory_space<semaphore_mem>>) src(%arg6 : memref<96x128xf32, #tpu.memory_space<vmem>>) dst(%dma_wait3A_440 : memref<96x128xf32, #tpu.memory_space<hbm>>)
      tpu.yield
    }) : () -> ()
    %dma_start3A_216 = arith.constant 14 : i32
    %dma_start3A_217 = arith.constant 0 : i32
    %dma_start3A_218 = tpu.memref_slice %arg5[%dma_start3A_216, %dma_start3A_217] : memref<27x96xi32, #tpu.memory_space<vmem>> -> memref<1x96xi32, #tpu.memory_space<vmem>>
    %dma_start3A_219 = tpu.memref_squeeze %dma_start3A_218 : memref<1x96xi32, #tpu.memory_space<vmem>> -> memref<96xi32, #tpu.memory_space<vmem>>
    %dma_start3A_220 = arith.constant 0 : i32
    %dma_start3A_221 = arith.constant 0 : i32
    %dma_start3A_222 = tpu.memref_slice %arg2[%dma_start3A_220, %dma_start3A_221] : memref<9216x128xf32, #tpu.memory_space<hbm>> -> memref<9216x128xf32, #tpu.memory_space<hbm>>
    tpu.enqueue_indirect_dma source(%dma_start3A_222 : memref<9216x128xf32, #tpu.memory_space<hbm>>) target(%arg6 : memref<96x128xf32, #tpu.memory_space<vmem>>) offsets(%dma_start3A_219 : memref<96xi32, #tpu.memory_space<vmem>>) semaphore(%arg8 : memref<!tpu.dma_semaphore, #tpu.memory_space<semaphore_mem>>)
    %dma_wait3A_223 = arith.constant 13 : i32
    %dma_wait3A_224 = arith.constant 0 : i32
    %dma_wait3A_225 = tpu.memref_slice %arg5[%dma_wait3A_223, %dma_wait3A_224] : memref<27x96xi32, #tpu.memory_space<vmem>> -> memref<1x96xi32, #tpu.memory_space<vmem>>
    %dma_wait3A_226 = tpu.memref_squeeze %dma_wait3A_225 : memref<1x96xi32, #tpu.memory_space<vmem>> -> memref<96xi32, #tpu.memory_space<vmem>>
    %dma_wait3A_227 = arith.constant 0 : i32
    %dma_wait3A_228 = arith.constant 0 : i32
    %dma_wait3A_229 = tpu.memref_slice %arg2[%dma_wait3A_227, %dma_wait3A_228] : memref<9216x128xf32, #tpu.memory_space<hbm>> -> memref<9216x128xf32, #tpu.memory_space<hbm>>
    tpu.wait_indirect_dma semaphore(%arg9 : memref<!tpu.dma_semaphore, #tpu.memory_space<semaphore_mem>>) src(%dma_wait3A_229 : memref<9216x128xf32, #tpu.memory_space<hbm>>) dst(%arg7 : memref<96x128xf32, #tpu.memory_space<vmem>>)
    %add3A_230 = arith.constant 1248 : i32
    %add3A_231 = arith.addi %mul3A_2, %add3A_230 : i32
    "tpu.region"() ({
      %run_scoped3A = tpu.sem_alloc : memref<!tpu.dma_semaphore, #tpu.memory_space<semaphore_mem>>
      %dma_start3A_433 = arith.constant 0 : i32
      %dma_start3A_434 = tpu.memref_slice %arg4[%add3A_231, %dma_start3A_433] : memref<82944x128xf32, #tpu.memory_space<hbm>> -> memref<96x128xf32, #tpu.memory_space<hbm>>
      %dma_start3A_435 = arith.constant 0 : i32
      %dma_start3A_436 = tpu.memref_slice %arg4[%add3A_231, %dma_start3A_435] : memref<82944x128xf32, #tpu.memory_space<hbm>> -> memref<96x128xf32, #tpu.memory_space<hbm>>
      tpu.enqueue_dma source(%arg7 : memref<96x128xf32, #tpu.memory_space<vmem>>) target(%dma_start3A_436 : memref<96x128xf32, #tpu.memory_space<hbm>>) target_semaphore(%run_scoped3A : memref<!tpu.dma_semaphore, #tpu.memory_space<semaphore_mem>>)
      %dma_wait3A_437 = arith.constant 0 : i32
      %dma_wait3A_438 = tpu.memref_slice %arg4[%add3A_231, %dma_wait3A_437] : memref<82944x128xf32, #tpu.memory_space<hbm>> -> memref<96x128xf32, #tpu.memory_space<hbm>>
      %dma_wait3A_439 = arith.constant 0 : i32
      %dma_wait3A_440 = tpu.memref_slice %arg4[%add3A_231, %dma_wait3A_439] : memref<82944x128xf32, #tpu.memory_space<hbm>> -> memref<96x128xf32, #tpu.memory_space<hbm>>
      tpu.wait_dma2 semaphore(%run_scoped3A : memref<!tpu.dma_semaphore, #tpu.memory_space<semaphore_mem>>) src(%arg7 : memref<96x128xf32, #tpu.memory_space<vmem>>) dst(%dma_wait3A_440 : memref<96x128xf32, #tpu.memory_space<hbm>>)
      tpu.yield
    }) : () -> ()
    %dma_start3A_232 = arith.constant 15 : i32
    %dma_start3A_233 = arith.constant 0 : i32
    %dma_start3A_234 = tpu.memref_slice %arg5[%dma_start3A_232, %dma_start3A_233] : memref<27x96xi32, #tpu.memory_space<vmem>> -> memref<1x96xi32, #tpu.memory_space<vmem>>
    %dma_start3A_235 = tpu.memref_squeeze %dma_start3A_234 : memref<1x96xi32, #tpu.memory_space<vmem>> -> memref<96xi32, #tpu.memory_space<vmem>>
    %dma_start3A_236 = arith.constant 0 : i32
    %dma_start3A_237 = arith.constant 0 : i32
    %dma_start3A_238 = tpu.memref_slice %arg2[%dma_start3A_236, %dma_start3A_237] : memref<9216x128xf32, #tpu.memory_space<hbm>> -> memref<9216x128xf32, #tpu.memory_space<hbm>>
    tpu.enqueue_indirect_dma source(%dma_start3A_238 : memref<9216x128xf32, #tpu.memory_space<hbm>>) target(%arg7 : memref<96x128xf32, #tpu.memory_space<vmem>>) offsets(%dma_start3A_235 : memref<96xi32, #tpu.memory_space<vmem>>) semaphore(%arg9 : memref<!tpu.dma_semaphore, #tpu.memory_space<semaphore_mem>>)
    %dma_wait3A_239 = arith.constant 14 : i32
    %dma_wait3A_240 = arith.constant 0 : i32
    %dma_wait3A_241 = tpu.memref_slice %arg5[%dma_wait3A_239, %dma_wait3A_240] : memref<27x96xi32, #tpu.memory_space<vmem>> -> memref<1x96xi32, #tpu.memory_space<vmem>>
    %dma_wait3A_242 = tpu.memref_squeeze %dma_wait3A_241 : memref<1x96xi32, #tpu.memory_space<vmem>> -> memref<96xi32, #tpu.memory_space<vmem>>
    %dma_wait3A_243 = arith.constant 0 : i32
    %dma_wait3A_244 = arith.constant 0 : i32
    %dma_wait3A_245 = tpu.memref_slice %arg2[%dma_wait3A_243, %dma_wait3A_244] : memref<9216x128xf32, #tpu.memory_space<hbm>> -> memref<9216x128xf32, #tpu.memory_space<hbm>>
    tpu.wait_indirect_dma semaphore(%arg8 : memref<!tpu.dma_semaphore, #tpu.memory_space<semaphore_mem>>) src(%dma_wait3A_245 : memref<9216x128xf32, #tpu.memory_space<hbm>>) dst(%arg6 : memref<96x128xf32, #tpu.memory_space<vmem>>)
    %add3A_246 = arith.constant 1344 : i32
    %add3A_247 = arith.addi %mul3A_2, %add3A_246 : i32
    "tpu.region"() ({
      %run_scoped3A = tpu.sem_alloc : memref<!tpu.dma_semaphore, #tpu.memory_space<semaphore_mem>>
      %dma_start3A_433 = arith.constant 0 : i32
      %dma_start3A_434 = tpu.memref_slice %arg4[%add3A_247, %dma_start3A_433] : memref<82944x128xf32, #tpu.memory_space<hbm>> -> memref<96x128xf32, #tpu.memory_space<hbm>>
      %dma_start3A_435 = arith.constant 0 : i32
      %dma_start3A_436 = tpu.memref_slice %arg4[%add3A_247, %dma_start3A_435] : memref<82944x128xf32, #tpu.memory_space<hbm>> -> memref<96x128xf32, #tpu.memory_space<hbm>>
      tpu.enqueue_dma source(%arg6 : memref<96x128xf32, #tpu.memory_space<vmem>>) target(%dma_start3A_436 : memref<96x128xf32, #tpu.memory_space<hbm>>) target_semaphore(%run_scoped3A : memref<!tpu.dma_semaphore, #tpu.memory_space<semaphore_mem>>)
      %dma_wait3A_437 = arith.constant 0 : i32
      %dma_wait3A_438 = tpu.memref_slice %arg4[%add3A_247, %dma_wait3A_437] : memref<82944x128xf32, #tpu.memory_space<hbm>> -> memref<96x128xf32, #tpu.memory_space<hbm>>
      %dma_wait3A_439 = arith.constant 0 : i32
      %dma_wait3A_440 = tpu.memref_slice %arg4[%add3A_247, %dma_wait3A_439] : memref<82944x128xf32, #tpu.memory_space<hbm>> -> memref<96x128xf32, #tpu.memory_space<hbm>>
      tpu.wait_dma2 semaphore(%run_scoped3A : memref<!tpu.dma_semaphore, #tpu.memory_space<semaphore_mem>>) src(%arg6 : memref<96x128xf32, #tpu.memory_space<vmem>>) dst(%dma_wait3A_440 : memref<96x128xf32, #tpu.memory_space<hbm>>)
      tpu.yield
    }) : () -> ()
    %dma_start3A_248 = arith.constant 16 : i32
    %dma_start3A_249 = arith.constant 0 : i32
    %dma_start3A_250 = tpu.memref_slice %arg5[%dma_start3A_248, %dma_start3A_249] : memref<27x96xi32, #tpu.memory_space<vmem>> -> memref<1x96xi32, #tpu.memory_space<vmem>>
    %dma_start3A_251 = tpu.memref_squeeze %dma_start3A_250 : memref<1x96xi32, #tpu.memory_space<vmem>> -> memref<96xi32, #tpu.memory_space<vmem>>
    %dma_start3A_252 = arith.constant 0 : i32
    %dma_start3A_253 = arith.constant 0 : i32
    %dma_start3A_254 = tpu.memref_slice %arg2[%dma_start3A_252, %dma_start3A_253] : memref<9216x128xf32, #tpu.memory_space<hbm>> -> memref<9216x128xf32, #tpu.memory_space<hbm>>
    tpu.enqueue_indirect_dma source(%dma_start3A_254 : memref<9216x128xf32, #tpu.memory_space<hbm>>) target(%arg6 : memref<96x128xf32, #tpu.memory_space<vmem>>) offsets(%dma_start3A_251 : memref<96xi32, #tpu.memory_space<vmem>>) semaphore(%arg8 : memref<!tpu.dma_semaphore, #tpu.memory_space<semaphore_mem>>)
    %dma_wait3A_255 = arith.constant 15 : i32
    %dma_wait3A_256 = arith.constant 0 : i32
    %dma_wait3A_257 = tpu.memref_slice %arg5[%dma_wait3A_255, %dma_wait3A_256] : memref<27x96xi32, #tpu.memory_space<vmem>> -> memref<1x96xi32, #tpu.memory_space<vmem>>
    %dma_wait3A_258 = tpu.memref_squeeze %dma_wait3A_257 : memref<1x96xi32, #tpu.memory_space<vmem>> -> memref<96xi32, #tpu.memory_space<vmem>>
    %dma_wait3A_259 = arith.constant 0 : i32
    %dma_wait3A_260 = arith.constant 0 : i32
    %dma_wait3A_261 = tpu.memref_slice %arg2[%dma_wait3A_259, %dma_wait3A_260] : memref<9216x128xf32, #tpu.memory_space<hbm>> -> memref<9216x128xf32, #tpu.memory_space<hbm>>
    tpu.wait_indirect_dma semaphore(%arg9 : memref<!tpu.dma_semaphore, #tpu.memory_space<semaphore_mem>>) src(%dma_wait3A_261 : memref<9216x128xf32, #tpu.memory_space<hbm>>) dst(%arg7 : memref<96x128xf32, #tpu.memory_space<vmem>>)
    %add3A_262 = arith.constant 1440 : i32
    %add3A_263 = arith.addi %mul3A_2, %add3A_262 : i32
    "tpu.region"() ({
      %run_scoped3A = tpu.sem_alloc : memref<!tpu.dma_semaphore, #tpu.memory_space<semaphore_mem>>
      %dma_start3A_433 = arith.constant 0 : i32
      %dma_start3A_434 = tpu.memref_slice %arg4[%add3A_263, %dma_start3A_433] : memref<82944x128xf32, #tpu.memory_space<hbm>> -> memref<96x128xf32, #tpu.memory_space<hbm>>
      %dma_start3A_435 = arith.constant 0 : i32
      %dma_start3A_436 = tpu.memref_slice %arg4[%add3A_263, %dma_start3A_435] : memref<82944x128xf32, #tpu.memory_space<hbm>> -> memref<96x128xf32, #tpu.memory_space<hbm>>
      tpu.enqueue_dma source(%arg7 : memref<96x128xf32, #tpu.memory_space<vmem>>) target(%dma_start3A_436 : memref<96x128xf32, #tpu.memory_space<hbm>>) target_semaphore(%run_scoped3A : memref<!tpu.dma_semaphore, #tpu.memory_space<semaphore_mem>>)
      %dma_wait3A_437 = arith.constant 0 : i32
      %dma_wait3A_438 = tpu.memref_slice %arg4[%add3A_263, %dma_wait3A_437] : memref<82944x128xf32, #tpu.memory_space<hbm>> -> memref<96x128xf32, #tpu.memory_space<hbm>>
      %dma_wait3A_439 = arith.constant 0 : i32
      %dma_wait3A_440 = tpu.memref_slice %arg4[%add3A_263, %dma_wait3A_439] : memref<82944x128xf32, #tpu.memory_space<hbm>> -> memref<96x128xf32, #tpu.memory_space<hbm>>
      tpu.wait_dma2 semaphore(%run_scoped3A : memref<!tpu.dma_semaphore, #tpu.memory_space<semaphore_mem>>) src(%arg7 : memref<96x128xf32, #tpu.memory_space<vmem>>) dst(%dma_wait3A_440 : memref<96x128xf32, #tpu.memory_space<hbm>>)
      tpu.yield
    }) : () -> ()
    %dma_start3A_264 = arith.constant 17 : i32
    %dma_start3A_265 = arith.constant 0 : i32
    %dma_start3A_266 = tpu.memref_slice %arg5[%dma_start3A_264, %dma_start3A_265] : memref<27x96xi32, #tpu.memory_space<vmem>> -> memref<1x96xi32, #tpu.memory_space<vmem>>
    %dma_start3A_267 = tpu.memref_squeeze %dma_start3A_266 : memref<1x96xi32, #tpu.memory_space<vmem>> -> memref<96xi32, #tpu.memory_space<vmem>>
    %dma_start3A_268 = arith.constant 0 : i32
    %dma_start3A_269 = arith.constant 0 : i32
    %dma_start3A_270 = tpu.memref_slice %arg2[%dma_start3A_268, %dma_start3A_269] : memref<9216x128xf32, #tpu.memory_space<hbm>> -> memref<9216x128xf32, #tpu.memory_space<hbm>>
    tpu.enqueue_indirect_dma source(%dma_start3A_270 : memref<9216x128xf32, #tpu.memory_space<hbm>>) target(%arg7 : memref<96x128xf32, #tpu.memory_space<vmem>>) offsets(%dma_start3A_267 : memref<96xi32, #tpu.memory_space<vmem>>) semaphore(%arg9 : memref<!tpu.dma_semaphore, #tpu.memory_space<semaphore_mem>>)
    %dma_wait3A_271 = arith.constant 16 : i32
    %dma_wait3A_272 = arith.constant 0 : i32
    %dma_wait3A_273 = tpu.memref_slice %arg5[%dma_wait3A_271, %dma_wait3A_272] : memref<27x96xi32, #tpu.memory_space<vmem>> -> memref<1x96xi32, #tpu.memory_space<vmem>>
    %dma_wait3A_274 = tpu.memref_squeeze %dma_wait3A_273 : memref<1x96xi32, #tpu.memory_space<vmem>> -> memref<96xi32, #tpu.memory_space<vmem>>
    %dma_wait3A_275 = arith.constant 0 : i32
    %dma_wait3A_276 = arith.constant 0 : i32
    %dma_wait3A_277 = tpu.memref_slice %arg2[%dma_wait3A_275, %dma_wait3A_276] : memref<9216x128xf32, #tpu.memory_space<hbm>> -> memref<9216x128xf32, #tpu.memory_space<hbm>>
    tpu.wait_indirect_dma semaphore(%arg8 : memref<!tpu.dma_semaphore, #tpu.memory_space<semaphore_mem>>) src(%dma_wait3A_277 : memref<9216x128xf32, #tpu.memory_space<hbm>>) dst(%arg6 : memref<96x128xf32, #tpu.memory_space<vmem>>)
    %add3A_278 = arith.constant 1536 : i32
    %add3A_279 = arith.addi %mul3A_2, %add3A_278 : i32
    "tpu.region"() ({
      %run_scoped3A = tpu.sem_alloc : memref<!tpu.dma_semaphore, #tpu.memory_space<semaphore_mem>>
      %dma_start3A_433 = arith.constant 0 : i32
      %dma_start3A_434 = tpu.memref_slice %arg4[%add3A_279, %dma_start3A_433] : memref<82944x128xf32, #tpu.memory_space<hbm>> -> memref<96x128xf32, #tpu.memory_space<hbm>>
      %dma_start3A_435 = arith.constant 0 : i32
      %dma_start3A_436 = tpu.memref_slice %arg4[%add3A_279, %dma_start3A_435] : memref<82944x128xf32, #tpu.memory_space<hbm>> -> memref<96x128xf32, #tpu.memory_space<hbm>>
      tpu.enqueue_dma source(%arg6 : memref<96x128xf32, #tpu.memory_space<vmem>>) target(%dma_start3A_436 : memref<96x128xf32, #tpu.memory_space<hbm>>) target_semaphore(%run_scoped3A : memref<!tpu.dma_semaphore, #tpu.memory_space<semaphore_mem>>)
      %dma_wait3A_437 = arith.constant 0 : i32
      %dma_wait3A_438 = tpu.memref_slice %arg4[%add3A_279, %dma_wait3A_437] : memref<82944x128xf32, #tpu.memory_space<hbm>> -> memref<96x128xf32, #tpu.memory_space<hbm>>
      %dma_wait3A_439 = arith.constant 0 : i32
      %dma_wait3A_440 = tpu.memref_slice %arg4[%add3A_279, %dma_wait3A_439] : memref<82944x128xf32, #tpu.memory_space<hbm>> -> memref<96x128xf32, #tpu.memory_space<hbm>>
      tpu.wait_dma2 semaphore(%run_scoped3A : memref<!tpu.dma_semaphore, #tpu.memory_space<semaphore_mem>>) src(%arg6 : memref<96x128xf32, #tpu.memory_space<vmem>>) dst(%dma_wait3A_440 : memref<96x128xf32, #tpu.memory_space<hbm>>)
      tpu.yield
    }) : () -> ()
    %dma_start3A_280 = arith.constant 18 : i32
    %dma_start3A_281 = arith.constant 0 : i32
    %dma_start3A_282 = tpu.memref_slice %arg5[%dma_start3A_280, %dma_start3A_281] : memref<27x96xi32, #tpu.memory_space<vmem>> -> memref<1x96xi32, #tpu.memory_space<vmem>>
    %dma_start3A_283 = tpu.memref_squeeze %dma_start3A_282 : memref<1x96xi32, #tpu.memory_space<vmem>> -> memref<96xi32, #tpu.memory_space<vmem>>
    %dma_start3A_284 = arith.constant 0 : i32
    %dma_start3A_285 = arith.constant 0 : i32
    %dma_start3A_286 = tpu.memref_slice %arg2[%dma_start3A_284, %dma_start3A_285] : memref<9216x128xf32, #tpu.memory_space<hbm>> -> memref<9216x128xf32, #tpu.memory_space<hbm>>
    tpu.enqueue_indirect_dma source(%dma_start3A_286 : memref<9216x128xf32, #tpu.memory_space<hbm>>) target(%arg6 : memref<96x128xf32, #tpu.memory_space<vmem>>) offsets(%dma_start3A_283 : memref<96xi32, #tpu.memory_space<vmem>>) semaphore(%arg8 : memref<!tpu.dma_semaphore, #tpu.memory_space<semaphore_mem>>)
    %dma_wait3A_287 = arith.constant 17 : i32
    %dma_wait3A_288 = arith.constant 0 : i32
    %dma_wait3A_289 = tpu.memref_slice %arg5[%dma_wait3A_287, %dma_wait3A_288] : memref<27x96xi32, #tpu.memory_space<vmem>> -> memref<1x96xi32, #tpu.memory_space<vmem>>
    %dma_wait3A_290 = tpu.memref_squeeze %dma_wait3A_289 : memref<1x96xi32, #tpu.memory_space<vmem>> -> memref<96xi32, #tpu.memory_space<vmem>>
    %dma_wait3A_291 = arith.constant 0 : i32
    %dma_wait3A_292 = arith.constant 0 : i32
    %dma_wait3A_293 = tpu.memref_slice %arg2[%dma_wait3A_291, %dma_wait3A_292] : memref<9216x128xf32, #tpu.memory_space<hbm>> -> memref<9216x128xf32, #tpu.memory_space<hbm>>
    tpu.wait_indirect_dma semaphore(%arg9 : memref<!tpu.dma_semaphore, #tpu.memory_space<semaphore_mem>>) src(%dma_wait3A_293 : memref<9216x128xf32, #tpu.memory_space<hbm>>) dst(%arg7 : memref<96x128xf32, #tpu.memory_space<vmem>>)
    %add3A_294 = arith.constant 1632 : i32
    %add3A_295 = arith.addi %mul3A_2, %add3A_294 : i32
    "tpu.region"() ({
      %run_scoped3A = tpu.sem_alloc : memref<!tpu.dma_semaphore, #tpu.memory_space<semaphore_mem>>
      %dma_start3A_433 = arith.constant 0 : i32
      %dma_start3A_434 = tpu.memref_slice %arg4[%add3A_295, %dma_start3A_433] : memref<82944x128xf32, #tpu.memory_space<hbm>> -> memref<96x128xf32, #tpu.memory_space<hbm>>
      %dma_start3A_435 = arith.constant 0 : i32
      %dma_start3A_436 = tpu.memref_slice %arg4[%add3A_295, %dma_start3A_435] : memref<82944x128xf32, #tpu.memory_space<hbm>> -> memref<96x128xf32, #tpu.memory_space<hbm>>
      tpu.enqueue_dma source(%arg7 : memref<96x128xf32, #tpu.memory_space<vmem>>) target(%dma_start3A_436 : memref<96x128xf32, #tpu.memory_space<hbm>>) target_semaphore(%run_scoped3A : memref<!tpu.dma_semaphore, #tpu.memory_space<semaphore_mem>>)
      %dma_wait3A_437 = arith.constant 0 : i32
      %dma_wait3A_438 = tpu.memref_slice %arg4[%add3A_295, %dma_wait3A_437] : memref<82944x128xf32, #tpu.memory_space<hbm>> -> memref<96x128xf32, #tpu.memory_space<hbm>>
      %dma_wait3A_439 = arith.constant 0 : i32
      %dma_wait3A_440 = tpu.memref_slice %arg4[%add3A_295, %dma_wait3A_439] : memref<82944x128xf32, #tpu.memory_space<hbm>> -> memref<96x128xf32, #tpu.memory_space<hbm>>
      tpu.wait_dma2 semaphore(%run_scoped3A : memref<!tpu.dma_semaphore, #tpu.memory_space<semaphore_mem>>) src(%arg7 : memref<96x128xf32, #tpu.memory_space<vmem>>) dst(%dma_wait3A_440 : memref<96x128xf32, #tpu.memory_space<hbm>>)
      tpu.yield
    }) : () -> ()
    %dma_start3A_296 = arith.constant 19 : i32
    %dma_start3A_297 = arith.constant 0 : i32
    %dma_start3A_298 = tpu.memref_slice %arg5[%dma_start3A_296, %dma_start3A_297] : memref<27x96xi32, #tpu.memory_space<vmem>> -> memref<1x96xi32, #tpu.memory_space<vmem>>
    %dma_start3A_299 = tpu.memref_squeeze %dma_start3A_298 : memref<1x96xi32, #tpu.memory_space<vmem>> -> memref<96xi32, #tpu.memory_space<vmem>>
    %dma_start3A_300 = arith.constant 0 : i32
    %dma_start3A_301 = arith.constant 0 : i32
    %dma_start3A_302 = tpu.memref_slice %arg2[%dma_start3A_300, %dma_start3A_301] : memref<9216x128xf32, #tpu.memory_space<hbm>> -> memref<9216x128xf32, #tpu.memory_space<hbm>>
    tpu.enqueue_indirect_dma source(%dma_start3A_302 : memref<9216x128xf32, #tpu.memory_space<hbm>>) target(%arg7 : memref<96x128xf32, #tpu.memory_space<vmem>>) offsets(%dma_start3A_299 : memref<96xi32, #tpu.memory_space<vmem>>) semaphore(%arg9 : memref<!tpu.dma_semaphore, #tpu.memory_space<semaphore_mem>>)
    %dma_wait3A_303 = arith.constant 18 : i32
    %dma_wait3A_304 = arith.constant 0 : i32
    %dma_wait3A_305 = tpu.memref_slice %arg5[%dma_wait3A_303, %dma_wait3A_304] : memref<27x96xi32, #tpu.memory_space<vmem>> -> memref<1x96xi32, #tpu.memory_space<vmem>>
    %dma_wait3A_306 = tpu.memref_squeeze %dma_wait3A_305 : memref<1x96xi32, #tpu.memory_space<vmem>> -> memref<96xi32, #tpu.memory_space<vmem>>
    %dma_wait3A_307 = arith.constant 0 : i32
    %dma_wait3A_308 = arith.constant 0 : i32
    %dma_wait3A_309 = tpu.memref_slice %arg2[%dma_wait3A_307, %dma_wait3A_308] : memref<9216x128xf32, #tpu.memory_space<hbm>> -> memref<9216x128xf32, #tpu.memory_space<hbm>>
    tpu.wait_indirect_dma semaphore(%arg8 : memref<!tpu.dma_semaphore, #tpu.memory_space<semaphore_mem>>) src(%dma_wait3A_309 : memref<9216x128xf32, #tpu.memory_space<hbm>>) dst(%arg6 : memref<96x128xf32, #tpu.memory_space<vmem>>)
    %add3A_310 = arith.constant 1728 : i32
    %add3A_311 = arith.addi %mul3A_2, %add3A_310 : i32
    "tpu.region"() ({
      %run_scoped3A = tpu.sem_alloc : memref<!tpu.dma_semaphore, #tpu.memory_space<semaphore_mem>>
      %dma_start3A_433 = arith.constant 0 : i32
      %dma_start3A_434 = tpu.memref_slice %arg4[%add3A_311, %dma_start3A_433] : memref<82944x128xf32, #tpu.memory_space<hbm>> -> memref<96x128xf32, #tpu.memory_space<hbm>>
      %dma_start3A_435 = arith.constant 0 : i32
      %dma_start3A_436 = tpu.memref_slice %arg4[%add3A_311, %dma_start3A_435] : memref<82944x128xf32, #tpu.memory_space<hbm>> -> memref<96x128xf32, #tpu.memory_space<hbm>>
      tpu.enqueue_dma source(%arg6 : memref<96x128xf32, #tpu.memory_space<vmem>>) target(%dma_start3A_436 : memref<96x128xf32, #tpu.memory_space<hbm>>) target_semaphore(%run_scoped3A : memref<!tpu.dma_semaphore, #tpu.memory_space<semaphore_mem>>)
      %dma_wait3A_437 = arith.constant 0 : i32
      %dma_wait3A_438 = tpu.memref_slice %arg4[%add3A_311, %dma_wait3A_437] : memref<82944x128xf32, #tpu.memory_space<hbm>> -> memref<96x128xf32, #tpu.memory_space<hbm>>
      %dma_wait3A_439 = arith.constant 0 : i32
      %dma_wait3A_440 = tpu.memref_slice %arg4[%add3A_311, %dma_wait3A_439] : memref<82944x128xf32, #tpu.memory_space<hbm>> -> memref<96x128xf32, #tpu.memory_space<hbm>>
      tpu.wait_dma2 semaphore(%run_scoped3A : memref<!tpu.dma_semaphore, #tpu.memory_space<semaphore_mem>>) src(%arg6 : memref<96x128xf32, #tpu.memory_space<vmem>>) dst(%dma_wait3A_440 : memref<96x128xf32, #tpu.memory_space<hbm>>)
      tpu.yield
    }) : () -> ()
    %dma_start3A_312 = arith.constant 20 : i32
    %dma_start3A_313 = arith.constant 0 : i32
    %dma_start3A_314 = tpu.memref_slice %arg5[%dma_start3A_312, %dma_start3A_313] : memref<27x96xi32, #tpu.memory_space<vmem>> -> memref<1x96xi32, #tpu.memory_space<vmem>>
    %dma_start3A_315 = tpu.memref_squeeze %dma_start3A_314 : memref<1x96xi32, #tpu.memory_space<vmem>> -> memref<96xi32, #tpu.memory_space<vmem>>
    %dma_start3A_316 = arith.constant 0 : i32
    %dma_start3A_317 = arith.constant 0 : i32
    %dma_start3A_318 = tpu.memref_slice %arg2[%dma_start3A_316, %dma_start3A_317] : memref<9216x128xf32, #tpu.memory_space<hbm>> -> memref<9216x128xf32, #tpu.memory_space<hbm>>
    tpu.enqueue_indirect_dma source(%dma_start3A_318 : memref<9216x128xf32, #tpu.memory_space<hbm>>) target(%arg6 : memref<96x128xf32, #tpu.memory_space<vmem>>) offsets(%dma_start3A_315 : memref<96xi32, #tpu.memory_space<vmem>>) semaphore(%arg8 : memref<!tpu.dma_semaphore, #tpu.memory_space<semaphore_mem>>)
    %dma_wait3A_319 = arith.constant 19 : i32
    %dma_wait3A_320 = arith.constant 0 : i32
    %dma_wait3A_321 = tpu.memref_slice %arg5[%dma_wait3A_319, %dma_wait3A_320] : memref<27x96xi32, #tpu.memory_space<vmem>> -> memref<1x96xi32, #tpu.memory_space<vmem>>
    %dma_wait3A_322 = tpu.memref_squeeze %dma_wait3A_321 : memref<1x96xi32, #tpu.memory_space<vmem>> -> memref<96xi32, #tpu.memory_space<vmem>>
    %dma_wait3A_323 = arith.constant 0 : i32
    %dma_wait3A_324 = arith.constant 0 : i32
    %dma_wait3A_325 = tpu.memref_slice %arg2[%dma_wait3A_323, %dma_wait3A_324] : memref<9216x128xf32, #tpu.memory_space<hbm>> -> memref<9216x128xf32, #tpu.memory_space<hbm>>
    tpu.wait_indirect_dma semaphore(%arg9 : memref<!tpu.dma_semaphore, #tpu.memory_space<semaphore_mem>>) src(%dma_wait3A_325 : memref<9216x128xf32, #tpu.memory_space<hbm>>) dst(%arg7 : memref<96x128xf32, #tpu.memory_space<vmem>>)
    %add3A_326 = arith.constant 1824 : i32
    %add3A_327 = arith.addi %mul3A_2, %add3A_326 : i32
    "tpu.region"() ({
      %run_scoped3A = tpu.sem_alloc : memref<!tpu.dma_semaphore, #tpu.memory_space<semaphore_mem>>
      %dma_start3A_433 = arith.constant 0 : i32
      %dma_start3A_434 = tpu.memref_slice %arg4[%add3A_327, %dma_start3A_433] : memref<82944x128xf32, #tpu.memory_space<hbm>> -> memref<96x128xf32, #tpu.memory_space<hbm>>
      %dma_start3A_435 = arith.constant 0 : i32
      %dma_start3A_436 = tpu.memref_slice %arg4[%add3A_327, %dma_start3A_435] : memref<82944x128xf32, #tpu.memory_space<hbm>> -> memref<96x128xf32, #tpu.memory_space<hbm>>
      tpu.enqueue_dma source(%arg7 : memref<96x128xf32, #tpu.memory_space<vmem>>) target(%dma_start3A_436 : memref<96x128xf32, #tpu.memory_space<hbm>>) target_semaphore(%run_scoped3A : memref<!tpu.dma_semaphore, #tpu.memory_space<semaphore_mem>>)
      %dma_wait3A_437 = arith.constant 0 : i32
      %dma_wait3A_438 = tpu.memref_slice %arg4[%add3A_327, %dma_wait3A_437] : memref<82944x128xf32, #tpu.memory_space<hbm>> -> memref<96x128xf32, #tpu.memory_space<hbm>>
      %dma_wait3A_439 = arith.constant 0 : i32
      %dma_wait3A_440 = tpu.memref_slice %arg4[%add3A_327, %dma_wait3A_439] : memref<82944x128xf32, #tpu.memory_space<hbm>> -> memref<96x128xf32, #tpu.memory_space<hbm>>
      tpu.wait_dma2 semaphore(%run_scoped3A : memref<!tpu.dma_semaphore, #tpu.memory_space<semaphore_mem>>) src(%arg7 : memref<96x128xf32, #tpu.memory_space<vmem>>) dst(%dma_wait3A_440 : memref<96x128xf32, #tpu.memory_space<hbm>>)
      tpu.yield
    }) : () -> ()
    %dma_start3A_328 = arith.constant 21 : i32
    %dma_start3A_329 = arith.constant 0 : i32
    %dma_start3A_330 = tpu.memref_slice %arg5[%dma_start3A_328, %dma_start3A_329] : memref<27x96xi32, #tpu.memory_space<vmem>> -> memref<1x96xi32, #tpu.memory_space<vmem>>
    %dma_start3A_331 = tpu.memref_squeeze %dma_start3A_330 : memref<1x96xi32, #tpu.memory_space<vmem>> -> memref<96xi32, #tpu.memory_space<vmem>>
    %dma_start3A_332 = arith.constant 0 : i32
    %dma_start3A_333 = arith.constant 0 : i32
    %dma_start3A_334 = tpu.memref_slice %arg2[%dma_start3A_332, %dma_start3A_333] : memref<9216x128xf32, #tpu.memory_space<hbm>> -> memref<9216x128xf32, #tpu.memory_space<hbm>>
    tpu.enqueue_indirect_dma source(%dma_start3A_334 : memref<9216x128xf32, #tpu.memory_space<hbm>>) target(%arg7 : memref<96x128xf32, #tpu.memory_space<vmem>>) offsets(%dma_start3A_331 : memref<96xi32, #tpu.memory_space<vmem>>) semaphore(%arg9 : memref<!tpu.dma_semaphore, #tpu.memory_space<semaphore_mem>>)
    %dma_wait3A_335 = arith.constant 20 : i32
    %dma_wait3A_336 = arith.constant 0 : i32
    %dma_wait3A_337 = tpu.memref_slice %arg5[%dma_wait3A_335, %dma_wait3A_336] : memref<27x96xi32, #tpu.memory_space<vmem>> -> memref<1x96xi32, #tpu.memory_space<vmem>>
    %dma_wait3A_338 = tpu.memref_squeeze %dma_wait3A_337 : memref<1x96xi32, #tpu.memory_space<vmem>> -> memref<96xi32, #tpu.memory_space<vmem>>
    %dma_wait3A_339 = arith.constant 0 : i32
    %dma_wait3A_340 = arith.constant 0 : i32
    %dma_wait3A_341 = tpu.memref_slice %arg2[%dma_wait3A_339, %dma_wait3A_340] : memref<9216x128xf32, #tpu.memory_space<hbm>> -> memref<9216x128xf32, #tpu.memory_space<hbm>>
    tpu.wait_indirect_dma semaphore(%arg8 : memref<!tpu.dma_semaphore, #tpu.memory_space<semaphore_mem>>) src(%dma_wait3A_341 : memref<9216x128xf32, #tpu.memory_space<hbm>>) dst(%arg6 : memref<96x128xf32, #tpu.memory_space<vmem>>)
    %add3A_342 = arith.constant 1920 : i32
    %add3A_343 = arith.addi %mul3A_2, %add3A_342 : i32
    "tpu.region"() ({
      %run_scoped3A = tpu.sem_alloc : memref<!tpu.dma_semaphore, #tpu.memory_space<semaphore_mem>>
      %dma_start3A_433 = arith.constant 0 : i32
      %dma_start3A_434 = tpu.memref_slice %arg4[%add3A_343, %dma_start3A_433] : memref<82944x128xf32, #tpu.memory_space<hbm>> -> memref<96x128xf32, #tpu.memory_space<hbm>>
      %dma_start3A_435 = arith.constant 0 : i32
      %dma_start3A_436 = tpu.memref_slice %arg4[%add3A_343, %dma_start3A_435] : memref<82944x128xf32, #tpu.memory_space<hbm>> -> memref<96x128xf32, #tpu.memory_space<hbm>>
      tpu.enqueue_dma source(%arg6 : memref<96x128xf32, #tpu.memory_space<vmem>>) target(%dma_start3A_436 : memref<96x128xf32, #tpu.memory_space<hbm>>) target_semaphore(%run_scoped3A : memref<!tpu.dma_semaphore, #tpu.memory_space<semaphore_mem>>)
      %dma_wait3A_437 = arith.constant 0 : i32
      %dma_wait3A_438 = tpu.memref_slice %arg4[%add3A_343, %dma_wait3A_437] : memref<82944x128xf32, #tpu.memory_space<hbm>> -> memref<96x128xf32, #tpu.memory_space<hbm>>
      %dma_wait3A_439 = arith.constant 0 : i32
      %dma_wait3A_440 = tpu.memref_slice %arg4[%add3A_343, %dma_wait3A_439] : memref<82944x128xf32, #tpu.memory_space<hbm>> -> memref<96x128xf32, #tpu.memory_space<hbm>>
      tpu.wait_dma2 semaphore(%run_scoped3A : memref<!tpu.dma_semaphore, #tpu.memory_space<semaphore_mem>>) src(%arg6 : memref<96x128xf32, #tpu.memory_space<vmem>>) dst(%dma_wait3A_440 : memref<96x128xf32, #tpu.memory_space<hbm>>)
      tpu.yield
    }) : () -> ()
    %dma_start3A_344 = arith.constant 22 : i32
    %dma_start3A_345 = arith.constant 0 : i32
    %dma_start3A_346 = tpu.memref_slice %arg5[%dma_start3A_344, %dma_start3A_345] : memref<27x96xi32, #tpu.memory_space<vmem>> -> memref<1x96xi32, #tpu.memory_space<vmem>>
    %dma_start3A_347 = tpu.memref_squeeze %dma_start3A_346 : memref<1x96xi32, #tpu.memory_space<vmem>> -> memref<96xi32, #tpu.memory_space<vmem>>
    %dma_start3A_348 = arith.constant 0 : i32
    %dma_start3A_349 = arith.constant 0 : i32
    %dma_start3A_350 = tpu.memref_slice %arg2[%dma_start3A_348, %dma_start3A_349] : memref<9216x128xf32, #tpu.memory_space<hbm>> -> memref<9216x128xf32, #tpu.memory_space<hbm>>
    tpu.enqueue_indirect_dma source(%dma_start3A_350 : memref<9216x128xf32, #tpu.memory_space<hbm>>) target(%arg6 : memref<96x128xf32, #tpu.memory_space<vmem>>) offsets(%dma_start3A_347 : memref<96xi32, #tpu.memory_space<vmem>>) semaphore(%arg8 : memref<!tpu.dma_semaphore, #tpu.memory_space<semaphore_mem>>)
    %dma_wait3A_351 = arith.constant 21 : i32
    %dma_wait3A_352 = arith.constant 0 : i32
    %dma_wait3A_353 = tpu.memref_slice %arg5[%dma_wait3A_351, %dma_wait3A_352] : memref<27x96xi32, #tpu.memory_space<vmem>> -> memref<1x96xi32, #tpu.memory_space<vmem>>
    %dma_wait3A_354 = tpu.memref_squeeze %dma_wait3A_353 : memref<1x96xi32, #tpu.memory_space<vmem>> -> memref<96xi32, #tpu.memory_space<vmem>>
    %dma_wait3A_355 = arith.constant 0 : i32
    %dma_wait3A_356 = arith.constant 0 : i32
    %dma_wait3A_357 = tpu.memref_slice %arg2[%dma_wait3A_355, %dma_wait3A_356] : memref<9216x128xf32, #tpu.memory_space<hbm>> -> memref<9216x128xf32, #tpu.memory_space<hbm>>
    tpu.wait_indirect_dma semaphore(%arg9 : memref<!tpu.dma_semaphore, #tpu.memory_space<semaphore_mem>>) src(%dma_wait3A_357 : memref<9216x128xf32, #tpu.memory_space<hbm>>) dst(%arg7 : memref<96x128xf32, #tpu.memory_space<vmem>>)
    %add3A_358 = arith.constant 2016 : i32
    %add3A_359 = arith.addi %mul3A_2, %add3A_358 : i32
    "tpu.region"() ({
      %run_scoped3A = tpu.sem_alloc : memref<!tpu.dma_semaphore, #tpu.memory_space<semaphore_mem>>
      %dma_start3A_433 = arith.constant 0 : i32
      %dma_start3A_434 = tpu.memref_slice %arg4[%add3A_359, %dma_start3A_433] : memref<82944x128xf32, #tpu.memory_space<hbm>> -> memref<96x128xf32, #tpu.memory_space<hbm>>
      %dma_start3A_435 = arith.constant 0 : i32
      %dma_start3A_436 = tpu.memref_slice %arg4[%add3A_359, %dma_start3A_435] : memref<82944x128xf32, #tpu.memory_space<hbm>> -> memref<96x128xf32, #tpu.memory_space<hbm>>
      tpu.enqueue_dma source(%arg7 : memref<96x128xf32, #tpu.memory_space<vmem>>) target(%dma_start3A_436 : memref<96x128xf32, #tpu.memory_space<hbm>>) target_semaphore(%run_scoped3A : memref<!tpu.dma_semaphore, #tpu.memory_space<semaphore_mem>>)
      %dma_wait3A_437 = arith.constant 0 : i32
      %dma_wait3A_438 = tpu.memref_slice %arg4[%add3A_359, %dma_wait3A_437] : memref<82944x128xf32, #tpu.memory_space<hbm>> -> memref<96x128xf32, #tpu.memory_space<hbm>>
      %dma_wait3A_439 = arith.constant 0 : i32
      %dma_wait3A_440 = tpu.memref_slice %arg4[%add3A_359, %dma_wait3A_439] : memref<82944x128xf32, #tpu.memory_space<hbm>> -> memref<96x128xf32, #tpu.memory_space<hbm>>
      tpu.wait_dma2 semaphore(%run_scoped3A : memref<!tpu.dma_semaphore, #tpu.memory_space<semaphore_mem>>) src(%arg7 : memref<96x128xf32, #tpu.memory_space<vmem>>) dst(%dma_wait3A_440 : memref<96x128xf32, #tpu.memory_space<hbm>>)
      tpu.yield
    }) : () -> ()
    %dma_start3A_360 = arith.constant 23 : i32
    %dma_start3A_361 = arith.constant 0 : i32
    %dma_start3A_362 = tpu.memref_slice %arg5[%dma_start3A_360, %dma_start3A_361] : memref<27x96xi32, #tpu.memory_space<vmem>> -> memref<1x96xi32, #tpu.memory_space<vmem>>
    %dma_start3A_363 = tpu.memref_squeeze %dma_start3A_362 : memref<1x96xi32, #tpu.memory_space<vmem>> -> memref<96xi32, #tpu.memory_space<vmem>>
    %dma_start3A_364 = arith.constant 0 : i32
    %dma_start3A_365 = arith.constant 0 : i32
    %dma_start3A_366 = tpu.memref_slice %arg2[%dma_start3A_364, %dma_start3A_365] : memref<9216x128xf32, #tpu.memory_space<hbm>> -> memref<9216x128xf32, #tpu.memory_space<hbm>>
    tpu.enqueue_indirect_dma source(%dma_start3A_366 : memref<9216x128xf32, #tpu.memory_space<hbm>>) target(%arg7 : memref<96x128xf32, #tpu.memory_space<vmem>>) offsets(%dma_start3A_363 : memref<96xi32, #tpu.memory_space<vmem>>) semaphore(%arg9 : memref<!tpu.dma_semaphore, #tpu.memory_space<semaphore_mem>>)
    %dma_wait3A_367 = arith.constant 22 : i32
    %dma_wait3A_368 = arith.constant 0 : i32
    %dma_wait3A_369 = tpu.memref_slice %arg5[%dma_wait3A_367, %dma_wait3A_368] : memref<27x96xi32, #tpu.memory_space<vmem>> -> memref<1x96xi32, #tpu.memory_space<vmem>>
    %dma_wait3A_370 = tpu.memref_squeeze %dma_wait3A_369 : memref<1x96xi32, #tpu.memory_space<vmem>> -> memref<96xi32, #tpu.memory_space<vmem>>
    %dma_wait3A_371 = arith.constant 0 : i32
    %dma_wait3A_372 = arith.constant 0 : i32
    %dma_wait3A_373 = tpu.memref_slice %arg2[%dma_wait3A_371, %dma_wait3A_372] : memref<9216x128xf32, #tpu.memory_space<hbm>> -> memref<9216x128xf32, #tpu.memory_space<hbm>>
    tpu.wait_indirect_dma semaphore(%arg8 : memref<!tpu.dma_semaphore, #tpu.memory_space<semaphore_mem>>) src(%dma_wait3A_373 : memref<9216x128xf32, #tpu.memory_space<hbm>>) dst(%arg6 : memref<96x128xf32, #tpu.memory_space<vmem>>)
    %add3A_374 = arith.constant 2112 : i32
    %add3A_375 = arith.addi %mul3A_2, %add3A_374 : i32
    "tpu.region"() ({
      %run_scoped3A = tpu.sem_alloc : memref<!tpu.dma_semaphore, #tpu.memory_space<semaphore_mem>>
      %dma_start3A_433 = arith.constant 0 : i32
      %dma_start3A_434 = tpu.memref_slice %arg4[%add3A_375, %dma_start3A_433] : memref<82944x128xf32, #tpu.memory_space<hbm>> -> memref<96x128xf32, #tpu.memory_space<hbm>>
      %dma_start3A_435 = arith.constant 0 : i32
      %dma_start3A_436 = tpu.memref_slice %arg4[%add3A_375, %dma_start3A_435] : memref<82944x128xf32, #tpu.memory_space<hbm>> -> memref<96x128xf32, #tpu.memory_space<hbm>>
      tpu.enqueue_dma source(%arg6 : memref<96x128xf32, #tpu.memory_space<vmem>>) target(%dma_start3A_436 : memref<96x128xf32, #tpu.memory_space<hbm>>) target_semaphore(%run_scoped3A : memref<!tpu.dma_semaphore, #tpu.memory_space<semaphore_mem>>)
      %dma_wait3A_437 = arith.constant 0 : i32
      %dma_wait3A_438 = tpu.memref_slice %arg4[%add3A_375, %dma_wait3A_437] : memref<82944x128xf32, #tpu.memory_space<hbm>> -> memref<96x128xf32, #tpu.memory_space<hbm>>
      %dma_wait3A_439 = arith.constant 0 : i32
      %dma_wait3A_440 = tpu.memref_slice %arg4[%add3A_375, %dma_wait3A_439] : memref<82944x128xf32, #tpu.memory_space<hbm>> -> memref<96x128xf32, #tpu.memory_space<hbm>>
      tpu.wait_dma2 semaphore(%run_scoped3A : memref<!tpu.dma_semaphore, #tpu.memory_space<semaphore_mem>>) src(%arg6 : memref<96x128xf32, #tpu.memory_space<vmem>>) dst(%dma_wait3A_440 : memref<96x128xf32, #tpu.memory_space<hbm>>)
      tpu.yield
    }) : () -> ()
    %dma_start3A_376 = arith.constant 24 : i32
    %dma_start3A_377 = arith.constant 0 : i32
    %dma_start3A_378 = tpu.memref_slice %arg5[%dma_start3A_376, %dma_start3A_377] : memref<27x96xi32, #tpu.memory_space<vmem>> -> memref<1x96xi32, #tpu.memory_space<vmem>>
    %dma_start3A_379 = tpu.memref_squeeze %dma_start3A_378 : memref<1x96xi32, #tpu.memory_space<vmem>> -> memref<96xi32, #tpu.memory_space<vmem>>
    %dma_start3A_380 = arith.constant 0 : i32
    %dma_start3A_381 = arith.constant 0 : i32
    %dma_start3A_382 = tpu.memref_slice %arg2[%dma_start3A_380, %dma_start3A_381] : memref<9216x128xf32, #tpu.memory_space<hbm>> -> memref<9216x128xf32, #tpu.memory_space<hbm>>
    tpu.enqueue_indirect_dma source(%dma_start3A_382 : memref<9216x128xf32, #tpu.memory_space<hbm>>) target(%arg6 : memref<96x128xf32, #tpu.memory_space<vmem>>) offsets(%dma_start3A_379 : memref<96xi32, #tpu.memory_space<vmem>>) semaphore(%arg8 : memref<!tpu.dma_semaphore, #tpu.memory_space<semaphore_mem>>)
    %dma_wait3A_383 = arith.constant 23 : i32
    %dma_wait3A_384 = arith.constant 0 : i32
    %dma_wait3A_385 = tpu.memref_slice %arg5[%dma_wait3A_383, %dma_wait3A_384] : memref<27x96xi32, #tpu.memory_space<vmem>> -> memref<1x96xi32, #tpu.memory_space<vmem>>
    %dma_wait3A_386 = tpu.memref_squeeze %dma_wait3A_385 : memref<1x96xi32, #tpu.memory_space<vmem>> -> memref<96xi32, #tpu.memory_space<vmem>>
    %dma_wait3A_387 = arith.constant 0 : i32
    %dma_wait3A_388 = arith.constant 0 : i32
    %dma_wait3A_389 = tpu.memref_slice %arg2[%dma_wait3A_387, %dma_wait3A_388] : memref<9216x128xf32, #tpu.memory_space<hbm>> -> memref<9216x128xf32, #tpu.memory_space<hbm>>
    tpu.wait_indirect_dma semaphore(%arg9 : memref<!tpu.dma_semaphore, #tpu.memory_space<semaphore_mem>>) src(%dma_wait3A_389 : memref<9216x128xf32, #tpu.memory_space<hbm>>) dst(%arg7 : memref<96x128xf32, #tpu.memory_space<vmem>>)
    %add3A_390 = arith.constant 2208 : i32
    %add3A_391 = arith.addi %mul3A_2, %add3A_390 : i32
    "tpu.region"() ({
      %run_scoped3A = tpu.sem_alloc : memref<!tpu.dma_semaphore, #tpu.memory_space<semaphore_mem>>
      %dma_start3A_433 = arith.constant 0 : i32
      %dma_start3A_434 = tpu.memref_slice %arg4[%add3A_391, %dma_start3A_433] : memref<82944x128xf32, #tpu.memory_space<hbm>> -> memref<96x128xf32, #tpu.memory_space<hbm>>
      %dma_start3A_435 = arith.constant 0 : i32
      %dma_start3A_436 = tpu.memref_slice %arg4[%add3A_391, %dma_start3A_435] : memref<82944x128xf32, #tpu.memory_space<hbm>> -> memref<96x128xf32, #tpu.memory_space<hbm>>
      tpu.enqueue_dma source(%arg7 : memref<96x128xf32, #tpu.memory_space<vmem>>) target(%dma_start3A_436 : memref<96x128xf32, #tpu.memory_space<hbm>>) target_semaphore(%run_scoped3A : memref<!tpu.dma_semaphore, #tpu.memory_space<semaphore_mem>>)
      %dma_wait3A_437 = arith.constant 0 : i32
      %dma_wait3A_438 = tpu.memref_slice %arg4[%add3A_391, %dma_wait3A_437] : memref<82944x128xf32, #tpu.memory_space<hbm>> -> memref<96x128xf32, #tpu.memory_space<hbm>>
      %dma_wait3A_439 = arith.constant 0 : i32
      %dma_wait3A_440 = tpu.memref_slice %arg4[%add3A_391, %dma_wait3A_439] : memref<82944x128xf32, #tpu.memory_space<hbm>> -> memref<96x128xf32, #tpu.memory_space<hbm>>
      tpu.wait_dma2 semaphore(%run_scoped3A : memref<!tpu.dma_semaphore, #tpu.memory_space<semaphore_mem>>) src(%arg7 : memref<96x128xf32, #tpu.memory_space<vmem>>) dst(%dma_wait3A_440 : memref<96x128xf32, #tpu.memory_space<hbm>>)
      tpu.yield
    }) : () -> ()
    %dma_start3A_392 = arith.constant 25 : i32
    %dma_start3A_393 = arith.constant 0 : i32
    %dma_start3A_394 = tpu.memref_slice %arg5[%dma_start3A_392, %dma_start3A_393] : memref<27x96xi32, #tpu.memory_space<vmem>> -> memref<1x96xi32, #tpu.memory_space<vmem>>
    %dma_start3A_395 = tpu.memref_squeeze %dma_start3A_394 : memref<1x96xi32, #tpu.memory_space<vmem>> -> memref<96xi32, #tpu.memory_space<vmem>>
    %dma_start3A_396 = arith.constant 0 : i32
    %dma_start3A_397 = arith.constant 0 : i32
    %dma_start3A_398 = tpu.memref_slice %arg2[%dma_start3A_396, %dma_start3A_397] : memref<9216x128xf32, #tpu.memory_space<hbm>> -> memref<9216x128xf32, #tpu.memory_space<hbm>>
    tpu.enqueue_indirect_dma source(%dma_start3A_398 : memref<9216x128xf32, #tpu.memory_space<hbm>>) target(%arg7 : memref<96x128xf32, #tpu.memory_space<vmem>>) offsets(%dma_start3A_395 : memref<96xi32, #tpu.memory_space<vmem>>) semaphore(%arg9 : memref<!tpu.dma_semaphore, #tpu.memory_space<semaphore_mem>>)
    %dma_wait3A_399 = arith.constant 24 : i32
    %dma_wait3A_400 = arith.constant 0 : i32
    %dma_wait3A_401 = tpu.memref_slice %arg5[%dma_wait3A_399, %dma_wait3A_400] : memref<27x96xi32, #tpu.memory_space<vmem>> -> memref<1x96xi32, #tpu.memory_space<vmem>>
    %dma_wait3A_402 = tpu.memref_squeeze %dma_wait3A_401 : memref<1x96xi32, #tpu.memory_space<vmem>> -> memref<96xi32, #tpu.memory_space<vmem>>
    %dma_wait3A_403 = arith.constant 0 : i32
    %dma_wait3A_404 = arith.constant 0 : i32
    %dma_wait3A_405 = tpu.memref_slice %arg2[%dma_wait3A_403, %dma_wait3A_404] : memref<9216x128xf32, #tpu.memory_space<hbm>> -> memref<9216x128xf32, #tpu.memory_space<hbm>>
    tpu.wait_indirect_dma semaphore(%arg8 : memref<!tpu.dma_semaphore, #tpu.memory_space<semaphore_mem>>) src(%dma_wait3A_405 : memref<9216x128xf32, #tpu.memory_space<hbm>>) dst(%arg6 : memref<96x128xf32, #tpu.memory_space<vmem>>)
    %add3A_406 = arith.constant 2304 : i32
    %add3A_407 = arith.addi %mul3A_2, %add3A_406 : i32
    "tpu.region"() ({
      %run_scoped3A = tpu.sem_alloc : memref<!tpu.dma_semaphore, #tpu.memory_space<semaphore_mem>>
      %dma_start3A_433 = arith.constant 0 : i32
      %dma_start3A_434 = tpu.memref_slice %arg4[%add3A_407, %dma_start3A_433] : memref<82944x128xf32, #tpu.memory_space<hbm>> -> memref<96x128xf32, #tpu.memory_space<hbm>>
      %dma_start3A_435 = arith.constant 0 : i32
      %dma_start3A_436 = tpu.memref_slice %arg4[%add3A_407, %dma_start3A_435] : memref<82944x128xf32, #tpu.memory_space<hbm>> -> memref<96x128xf32, #tpu.memory_space<hbm>>
      tpu.enqueue_dma source(%arg6 : memref<96x128xf32, #tpu.memory_space<vmem>>) target(%dma_start3A_436 : memref<96x128xf32, #tpu.memory_space<hbm>>) target_semaphore(%run_scoped3A : memref<!tpu.dma_semaphore, #tpu.memory_space<semaphore_mem>>)
      %dma_wait3A_437 = arith.constant 0 : i32
      %dma_wait3A_438 = tpu.memref_slice %arg4[%add3A_407, %dma_wait3A_437] : memref<82944x128xf32, #tpu.memory_space<hbm>> -> memref<96x128xf32, #tpu.memory_space<hbm>>
      %dma_wait3A_439 = arith.constant 0 : i32
      %dma_wait3A_440 = tpu.memref_slice %arg4[%add3A_407, %dma_wait3A_439] : memref<82944x128xf32, #tpu.memory_space<hbm>> -> memref<96x128xf32, #tpu.memory_space<hbm>>
      tpu.wait_dma2 semaphore(%run_scoped3A : memref<!tpu.dma_semaphore, #tpu.memory_space<semaphore_mem>>) src(%arg6 : memref<96x128xf32, #tpu.memory_space<vmem>>) dst(%dma_wait3A_440 : memref<96x128xf32, #tpu.memory_space<hbm>>)
      tpu.yield
    }) : () -> ()
    %dma_start3A_408 = arith.constant 26 : i32
    %dma_start3A_409 = arith.constant 0 : i32
    %dma_start3A_410 = tpu.memref_slice %arg5[%dma_start3A_408, %dma_start3A_409] : memref<27x96xi32, #tpu.memory_space<vmem>> -> memref<1x96xi32, #tpu.memory_space<vmem>>
    %dma_start3A_411 = tpu.memref_squeeze %dma_start3A_410 : memref<1x96xi32, #tpu.memory_space<vmem>> -> memref<96xi32, #tpu.memory_space<vmem>>
    %dma_start3A_412 = arith.constant 0 : i32
    %dma_start3A_413 = arith.constant 0 : i32
    %dma_start3A_414 = tpu.memref_slice %arg2[%dma_start3A_412, %dma_start3A_413] : memref<9216x128xf32, #tpu.memory_space<hbm>> -> memref<9216x128xf32, #tpu.memory_space<hbm>>
    tpu.enqueue_indirect_dma source(%dma_start3A_414 : memref<9216x128xf32, #tpu.memory_space<hbm>>) target(%arg6 : memref<96x128xf32, #tpu.memory_space<vmem>>) offsets(%dma_start3A_411 : memref<96xi32, #tpu.memory_space<vmem>>) semaphore(%arg8 : memref<!tpu.dma_semaphore, #tpu.memory_space<semaphore_mem>>)
    %dma_wait3A_415 = arith.constant 25 : i32
    %dma_wait3A_416 = arith.constant 0 : i32
    %dma_wait3A_417 = tpu.memref_slice %arg5[%dma_wait3A_415, %dma_wait3A_416] : memref<27x96xi32, #tpu.memory_space<vmem>> -> memref<1x96xi32, #tpu.memory_space<vmem>>
    %dma_wait3A_418 = tpu.memref_squeeze %dma_wait3A_417 : memref<1x96xi32, #tpu.memory_space<vmem>> -> memref<96xi32, #tpu.memory_space<vmem>>
    %dma_wait3A_419 = arith.constant 0 : i32
    %dma_wait3A_420 = arith.constant 0 : i32
    %dma_wait3A_421 = tpu.memref_slice %arg2[%dma_wait3A_419, %dma_wait3A_420] : memref<9216x128xf32, #tpu.memory_space<hbm>> -> memref<9216x128xf32, #tpu.memory_space<hbm>>
    tpu.wait_indirect_dma semaphore(%arg9 : memref<!tpu.dma_semaphore, #tpu.memory_space<semaphore_mem>>) src(%dma_wait3A_421 : memref<9216x128xf32, #tpu.memory_space<hbm>>) dst(%arg7 : memref<96x128xf32, #tpu.memory_space<vmem>>)
    %add3A_422 = arith.constant 2400 : i32
    %add3A_423 = arith.addi %mul3A_2, %add3A_422 : i32
    "tpu.region"() ({
      %run_scoped3A = tpu.sem_alloc : memref<!tpu.dma_semaphore, #tpu.memory_space<semaphore_mem>>
      %dma_start3A_433 = arith.constant 0 : i32
      %dma_start3A_434 = tpu.memref_slice %arg4[%add3A_423, %dma_start3A_433] : memref<82944x128xf32, #tpu.memory_space<hbm>> -> memref<96x128xf32, #tpu.memory_space<hbm>>
      %dma_start3A_435 = arith.constant 0 : i32
      %dma_start3A_436 = tpu.memref_slice %arg4[%add3A_423, %dma_start3A_435] : memref<82944x128xf32, #tpu.memory_space<hbm>> -> memref<96x128xf32, #tpu.memory_space<hbm>>
      tpu.enqueue_dma source(%arg7 : memref<96x128xf32, #tpu.memory_space<vmem>>) target(%dma_start3A_436 : memref<96x128xf32, #tpu.memory_space<hbm>>) target_semaphore(%run_scoped3A : memref<!tpu.dma_semaphore, #tpu.memory_space<semaphore_mem>>)
      %dma_wait3A_437 = arith.constant 0 : i32
      %dma_wait3A_438 = tpu.memref_slice %arg4[%add3A_423, %dma_wait3A_437] : memref<82944x128xf32, #tpu.memory_space<hbm>> -> memref<96x128xf32, #tpu.memory_space<hbm>>
      %dma_wait3A_439 = arith.constant 0 : i32
      %dma_wait3A_440 = tpu.memref_slice %arg4[%add3A_423, %dma_wait3A_439] : memref<82944x128xf32, #tpu.memory_space<hbm>> -> memref<96x128xf32, #tpu.memory_space<hbm>>
      tpu.wait_dma2 semaphore(%run_scoped3A : memref<!tpu.dma_semaphore, #tpu.memory_space<semaphore_mem>>) src(%arg7 : memref<96x128xf32, #tpu.memory_space<vmem>>) dst(%dma_wait3A_440 : memref<96x128xf32, #tpu.memory_space<hbm>>)
      tpu.yield
    }) : () -> ()
    %dma_wait3A_424 = arith.constant 26 : i32
    %dma_wait3A_425 = arith.constant 0 : i32
    %dma_wait3A_426 = tpu.memref_slice %arg5[%dma_wait3A_424, %dma_wait3A_425] : memref<27x96xi32, #tpu.memory_space<vmem>> -> memref<1x96xi32, #tpu.memory_space<vmem>>
    %dma_wait3A_427 = tpu.memref_squeeze %dma_wait3A_426 : memref<1x96xi32, #tpu.memory_space<vmem>> -> memref<96xi32, #tpu.memory_space<vmem>>
    %dma_wait3A_428 = arith.constant 0 : i32
    %dma_wait3A_429 = arith.constant 0 : i32
    %dma_wait3A_430 = tpu.memref_slice %arg2[%dma_wait3A_428, %dma_wait3A_429] : memref<9216x128xf32, #tpu.memory_space<hbm>> -> memref<9216x128xf32, #tpu.memory_space<hbm>>
    tpu.wait_indirect_dma semaphore(%arg8 : memref<!tpu.dma_semaphore, #tpu.memory_space<semaphore_mem>>) src(%dma_wait3A_430 : memref<9216x128xf32, #tpu.memory_space<hbm>>) dst(%arg6 : memref<96x128xf32, #tpu.memory_space<vmem>>)
    %add3A_431 = arith.constant 2496 : i32
    %add3A_432 = arith.addi %mul3A_2, %add3A_431 : i32
    "tpu.region"() ({
      %run_scoped3A = tpu.sem_alloc : memref<!tpu.dma_semaphore, #tpu.memory_space<semaphore_mem>>
      %dma_start3A_433 = arith.constant 0 : i32
      %dma_start3A_434 = tpu.memref_slice %arg4[%add3A_432, %dma_start3A_433] : memref<82944x128xf32, #tpu.memory_space<hbm>> -> memref<96x128xf32, #tpu.memory_space<hbm>>
      %dma_start3A_435 = arith.constant 0 : i32
      %dma_start3A_436 = tpu.memref_slice %arg4[%add3A_432, %dma_start3A_435] : memref<82944x128xf32, #tpu.memory_space<hbm>> -> memref<96x128xf32, #tpu.memory_space<hbm>>
      tpu.enqueue_dma source(%arg6 : memref<96x128xf32, #tpu.memory_space<vmem>>) target(%dma_start3A_436 : memref<96x128xf32, #tpu.memory_space<hbm>>) target_semaphore(%run_scoped3A : memref<!tpu.dma_semaphore, #tpu.memory_space<semaphore_mem>>)
      %dma_wait3A_437 = arith.constant 0 : i32
      %dma_wait3A_438 = tpu.memref_slice %arg4[%add3A_432, %dma_wait3A_437] : memref<82944x128xf32, #tpu.memory_space<hbm>> -> memref<96x128xf32, #tpu.memory_space<hbm>>
      %dma_wait3A_439 = arith.constant 0 : i32
      %dma_wait3A_440 = tpu.memref_slice %arg4[%add3A_432, %dma_wait3A_439] : memref<82944x128xf32, #tpu.memory_space<hbm>> -> memref<96x128xf32, #tpu.memory_space<hbm>>
      tpu.wait_dma2 semaphore(%run_scoped3A : memref<!tpu.dma_semaphore, #tpu.memory_space<semaphore_mem>>) src(%arg6 : memref<96x128xf32, #tpu.memory_space<vmem>>) dst(%dma_wait3A_440 : memref<96x128xf32, #tpu.memory_space<hbm>>)
      tpu.yield
    }) : () -> ()
    return
  }
}

module attributes {stable_mosaic.version = 14 : i64} {
  func.func @_topk_body(%arg0: i32, %arg1: i32, %arg2: memref<1x64x2304xf32, #tpu.memory_space<vmem>>, %arg3: memref<1x64x768xf32, #tpu.memory_space<vmem>>, %arg4: memref<8x64xf32, #tpu.memory_space<vmem>>, %arg5: memref<8x64xf32, #tpu.memory_space<vmem>>, %arg6: memref<8x1xf32, #tpu.memory_space<vmem>>, %arg7: memref<8x1xf32, #tpu.memory_space<vmem>>, %arg8: memref<1x768x16xi32, #tpu.memory_space<vmem>>, %arg9: memref<1x768x128xf32, #tpu.memory_space<vmem>>) attributes {dimension_semantics = [#tpu.dimension_semantics<arbitrary>, #tpu.dimension_semantics<arbitrary>], iteration_bounds = array<i64: 4, 3>, scalar_prefetch = 0 : i64, scratch_operands = 0 : i64, tpu.core_type = #tpu.core_type<tc>, window_params = [{transform_indices = @transform_0, window_bounds = array<i64: 1, 64, 2304>}, {transform_indices = @transform_1, window_bounds = array<i64: 1, 64, 768>}, {pipeline_mode = #tpu.pipeline_mode<synchronous>, transform_indices = @transform_2, window_bounds = array<i64: 8, 64>}, {pipeline_mode = #tpu.pipeline_mode<synchronous>, transform_indices = @transform_3, window_bounds = array<i64: 8, 64>}, {pipeline_mode = #tpu.pipeline_mode<synchronous>, transform_indices = @transform_4, window_bounds = array<i64: 8, 1>}, {pipeline_mode = #tpu.pipeline_mode<synchronous>, transform_indices = @transform_5, window_bounds = array<i64: 8, 1>}, {transform_indices = @transform_6, window_bounds = array<i64: 1, 768, 16>}, {transform_indices = @transform_7, window_bounds = array<i64: 1, 768, 128>}]} {
    %mul3A = arith.constant 2304 : i32
    %mul3A_0 = arith.muli %arg0, %mul3A : i32
    %get3A = arith.constant 0 : index
    %get3A_1 = arith.constant 0 : index
    %get3A_2 = arith.constant 0 : index
    %get3A_3 = vector.load %arg2[%get3A, %get3A_1, %get3A_2] : memref<1x64x2304xf32, #tpu.memory_space<vmem>>, vector<1x64x2304xf32>
    %get3A_4 = vector.shape_cast %get3A_3 : vector<1x64x2304xf32> to vector<64x2304xf32>
    %get3A_5 = arith.constant 0 : index
    %get3A_6 = arith.constant 0 : index
    %get3A_7 = arith.constant 0 : index
    %get3A_8 = vector.load %arg3[%get3A_5, %get3A_6, %get3A_7] : memref<1x64x768xf32, #tpu.memory_space<vmem>>, vector<1x64x768xf32>
    %get3A_9 = vector.shape_cast %get3A_8 : vector<1x64x768xf32> to vector<64x768xf32>
    %get3A_10 = arith.constant 0 : index
    %get3A_11 = arith.constant 0 : index
    %get3A_12 = vector.load %arg4[%get3A_10, %get3A_11] : memref<8x64xf32, #tpu.memory_space<vmem>>, vector<8x64xf32>
    %dot_general3A = arith.constant dense<0.000000e+00> : vector<8x2304xf32>
    %dot_general3A_13 = tpu.matmul %get3A_12, %get3A_4, %dot_general3A {dimension_numbers = #tpu.dot_dimension_numbers<[1], [0], [0], [1], [0, 0, 1, 1], [], []>, transpose_lhs_hint = false} : vector<8x64xf32>, vector<64x2304xf32>, vector<8x2304xf32> -> vector<8x2304xf32>
    %get3A_14 = arith.constant 0 : index
    %get3A_15 = arith.constant 0 : index
    %get3A_16 = vector.load %arg6[%get3A_14, %get3A_15] : memref<8x1xf32, #tpu.memory_space<vmem>>, vector<8x1xf32>
    %add3A = vector.broadcast %get3A_16 : vector<8x1xf32> to vector<8x2304xf32>
    %add3A_17 = arith.addf %dot_general3A_13, %add3A : vector<8x2304xf32>
    %get3A_18 = arith.constant 0 : index
    %get3A_19 = arith.constant 0 : index
    %get3A_20 = vector.load %arg5[%get3A_18, %get3A_19] : memref<8x64xf32, #tpu.memory_space<vmem>>, vector<8x64xf32>
    %dot_general3A_21 = arith.constant dense<0.000000e+00> : vector<8x768xf32>
    %dot_general3A_22 = tpu.matmul %get3A_20, %get3A_9, %dot_general3A_21 {dimension_numbers = #tpu.dot_dimension_numbers<[1], [0], [0], [1], [0, 0, 1, 1], [], []>, transpose_lhs_hint = false} : vector<8x64xf32>, vector<64x768xf32>, vector<8x768xf32> -> vector<8x768xf32>
    %get3A_23 = arith.constant 0 : index
    %get3A_24 = arith.constant 0 : index
    %get3A_25 = vector.load %arg7[%get3A_23, %get3A_24] : memref<8x1xf32, #tpu.memory_space<vmem>>, vector<8x1xf32>
    %add3A_26 = vector.broadcast %get3A_25 : vector<8x1xf32> to vector<8x768xf32>
    %add3A_27 = arith.addf %dot_general3A_22, %add3A_26 : vector<8x768xf32>
    %dot_general3A_28 = arith.constant dense<0.000000e+00> : vector<768x2304xf32>
    %dot_general3A_29 = tpu.matmul %add3A_27, %add3A_17, %dot_general3A_28 {dimension_numbers = #tpu.dot_dimension_numbers<[0], [0], [1], [1], [0, 1, 1, 1], [], []>, transpose_lhs_hint = false} : vector<8x768xf32>, vector<8x2304xf32>, vector<768x2304xf32> -> vector<768x2304xf32>
    %iota3A = tpu.iota {dimensions = array<i32: 1>} : vector<768x2304xi32>
    %argmax3A = tpu.reduce_index %dot_general3A_29 {axis = 1 : i32, kind = #tpu.reduction_kind<arg_max>} : vector<768x2304xf32> -> vector<768xi32>
    %reshape3A = vector.shape_cast %argmax3A : vector<768xi32> to vector<768x1xi32>
    %eq3A = vector.broadcast %reshape3A : vector<768x1xi32> to vector<768x2304xi32>
    %eq3A_30 = arith.cmpi eq, %iota3A, %eq3A : vector<768x2304xi32>
    %jit3A = arith.constant 0xFF800000 : f32
    %broadcast_in_dim3A = vector.broadcast %jit3A : f32 to vector<768x2304xf32>
    %select_n3A = arith.select %eq3A_30, %broadcast_in_dim3A, %dot_general3A_29 : vector<768x2304xi1>, vector<768x2304xf32>
    %argmax3A_31 = tpu.reduce_index %select_n3A {axis = 1 : i32, kind = #tpu.reduction_kind<arg_max>} : vector<768x2304xf32> -> vector<768xi32>
    %reshape3A_32 = vector.shape_cast %argmax3A_31 : vector<768xi32> to vector<768x1xi32>
    %eq3A_33 = vector.broadcast %reshape3A_32 : vector<768x1xi32> to vector<768x2304xi32>
    %eq3A_34 = arith.cmpi eq, %iota3A, %eq3A_33 : vector<768x2304xi32>
    %jit3A_35 = arith.constant 0xFF800000 : f32
    %broadcast_in_dim3A_36 = vector.broadcast %jit3A_35 : f32 to vector<768x2304xf32>
    %select_n3A_37 = arith.select %eq3A_34, %broadcast_in_dim3A_36, %select_n3A : vector<768x2304xi1>, vector<768x2304xf32>
    %argmax3A_38 = tpu.reduce_index %select_n3A_37 {axis = 1 : i32, kind = #tpu.reduction_kind<arg_max>} : vector<768x2304xf32> -> vector<768xi32>
    %reshape3A_39 = vector.shape_cast %argmax3A_38 : vector<768xi32> to vector<768x1xi32>
    %eq3A_40 = vector.broadcast %reshape3A_39 : vector<768x1xi32> to vector<768x2304xi32>
    %eq3A_41 = arith.cmpi eq, %iota3A, %eq3A_40 : vector<768x2304xi32>
    %jit3A_42 = arith.constant 0xFF800000 : f32
    %broadcast_in_dim3A_43 = vector.broadcast %jit3A_42 : f32 to vector<768x2304xf32>
    %select_n3A_44 = arith.select %eq3A_41, %broadcast_in_dim3A_43, %select_n3A_37 : vector<768x2304xi1>, vector<768x2304xf32>
    %argmax3A_45 = tpu.reduce_index %select_n3A_44 {axis = 1 : i32, kind = #tpu.reduction_kind<arg_max>} : vector<768x2304xf32> -> vector<768xi32>
    %reshape3A_46 = vector.shape_cast %argmax3A_45 : vector<768xi32> to vector<768x1xi32>
    %eq3A_47 = vector.broadcast %reshape3A_46 : vector<768x1xi32> to vector<768x2304xi32>
    %eq3A_48 = arith.cmpi eq, %iota3A, %eq3A_47 : vector<768x2304xi32>
    %jit3A_49 = arith.constant 0xFF800000 : f32
    %broadcast_in_dim3A_50 = vector.broadcast %jit3A_49 : f32 to vector<768x2304xf32>
    %select_n3A_51 = arith.select %eq3A_48, %broadcast_in_dim3A_50, %select_n3A_44 : vector<768x2304xi1>, vector<768x2304xf32>
    %argmax3A_52 = tpu.reduce_index %select_n3A_51 {axis = 1 : i32, kind = #tpu.reduction_kind<arg_max>} : vector<768x2304xf32> -> vector<768xi32>
    %reshape3A_53 = vector.shape_cast %argmax3A_52 : vector<768xi32> to vector<768x1xi32>
    %eq3A_54 = vector.broadcast %reshape3A_53 : vector<768x1xi32> to vector<768x2304xi32>
    %eq3A_55 = arith.cmpi eq, %iota3A, %eq3A_54 : vector<768x2304xi32>
    %jit3A_56 = arith.constant 0xFF800000 : f32
    %broadcast_in_dim3A_57 = vector.broadcast %jit3A_56 : f32 to vector<768x2304xf32>
    %select_n3A_58 = arith.select %eq3A_55, %broadcast_in_dim3A_57, %select_n3A_51 : vector<768x2304xi1>, vector<768x2304xf32>
    %argmax3A_59 = tpu.reduce_index %select_n3A_58 {axis = 1 : i32, kind = #tpu.reduction_kind<arg_max>} : vector<768x2304xf32> -> vector<768xi32>
    %reshape3A_60 = vector.shape_cast %argmax3A_59 : vector<768xi32> to vector<768x1xi32>
    %eq3A_61 = vector.broadcast %reshape3A_60 : vector<768x1xi32> to vector<768x2304xi32>
    %eq3A_62 = arith.cmpi eq, %iota3A, %eq3A_61 : vector<768x2304xi32>
    %jit3A_63 = arith.constant 0xFF800000 : f32
    %broadcast_in_dim3A_64 = vector.broadcast %jit3A_63 : f32 to vector<768x2304xf32>
    %select_n3A_65 = arith.select %eq3A_62, %broadcast_in_dim3A_64, %select_n3A_58 : vector<768x2304xi1>, vector<768x2304xf32>
    %argmax3A_66 = tpu.reduce_index %select_n3A_65 {axis = 1 : i32, kind = #tpu.reduction_kind<arg_max>} : vector<768x2304xf32> -> vector<768xi32>
    %reshape3A_67 = vector.shape_cast %argmax3A_66 : vector<768xi32> to vector<768x1xi32>
    %eq3A_68 = vector.broadcast %reshape3A_67 : vector<768x1xi32> to vector<768x2304xi32>
    %eq3A_69 = arith.cmpi eq, %iota3A, %eq3A_68 : vector<768x2304xi32>
    %jit3A_70 = arith.constant 0xFF800000 : f32
    %broadcast_in_dim3A_71 = vector.broadcast %jit3A_70 : f32 to vector<768x2304xf32>
    %select_n3A_72 = arith.select %eq3A_69, %broadcast_in_dim3A_71, %select_n3A_65 : vector<768x2304xi1>, vector<768x2304xf32>
    %argmax3A_73 = tpu.reduce_index %select_n3A_72 {axis = 1 : i32, kind = #tpu.reduction_kind<arg_max>} : vector<768x2304xf32> -> vector<768xi32>
    %reshape3A_74 = vector.shape_cast %argmax3A_73 : vector<768xi32> to vector<768x1xi32>
    %eq3A_75 = vector.broadcast %reshape3A_74 : vector<768x1xi32> to vector<768x2304xi32>
    %eq3A_76 = arith.cmpi eq, %iota3A, %eq3A_75 : vector<768x2304xi32>
    %jit3A_77 = arith.constant 0xFF800000 : f32
    %broadcast_in_dim3A_78 = vector.broadcast %jit3A_77 : f32 to vector<768x2304xf32>
    %select_n3A_79 = arith.select %eq3A_76, %broadcast_in_dim3A_78, %select_n3A_72 : vector<768x2304xi1>, vector<768x2304xf32>
    %argmax3A_80 = tpu.reduce_index %select_n3A_79 {axis = 1 : i32, kind = #tpu.reduction_kind<arg_max>} : vector<768x2304xf32> -> vector<768xi32>
    %reshape3A_81 = vector.shape_cast %argmax3A_80 : vector<768xi32> to vector<768x1xi32>
    %min3A = arith.minsi %reshape3A, %reshape3A_46 : vector<768x1xi32>
    %max3A = arith.maxsi %reshape3A, %reshape3A_46 : vector<768x1xi32>
    %min3A_82 = arith.minsi %reshape3A_32, %reshape3A_74 : vector<768x1xi32>
    %max3A_83 = arith.maxsi %reshape3A_32, %reshape3A_74 : vector<768x1xi32>
    %min3A_84 = arith.minsi %reshape3A_39, %reshape3A_60 : vector<768x1xi32>
    %max3A_85 = arith.maxsi %reshape3A_39, %reshape3A_60 : vector<768x1xi32>
    %min3A_86 = arith.minsi %reshape3A_53, %reshape3A_81 : vector<768x1xi32>
    %max3A_87 = arith.maxsi %reshape3A_53, %reshape3A_81 : vector<768x1xi32>
    %min3A_88 = arith.minsi %min3A, %max3A_83 : vector<768x1xi32>
    %max3A_89 = arith.maxsi %min3A, %max3A_83 : vector<768x1xi32>
    %min3A_90 = arith.minsi %min3A_84, %min3A_86 : vector<768x1xi32>
    %max3A_91 = arith.maxsi %min3A_84, %min3A_86 : vector<768x1xi32>
    %min3A_92 = arith.minsi %max3A, %max3A_87 : vector<768x1xi32>
    %max3A_93 = arith.maxsi %max3A, %max3A_87 : vector<768x1xi32>
    %min3A_94 = arith.minsi %max3A_85, %reshape3A_67 : vector<768x1xi32>
    %max3A_95 = arith.maxsi %max3A_85, %reshape3A_67 : vector<768x1xi32>
    %min3A_96 = arith.minsi %min3A_88, %min3A_90 : vector<768x1xi32>
    %max3A_97 = arith.maxsi %min3A_88, %min3A_90 : vector<768x1xi32>
    %min3A_98 = arith.minsi %min3A_82, %min3A_92 : vector<768x1xi32>
    %max3A_99 = arith.maxsi %min3A_82, %min3A_92 : vector<768x1xi32>
    %min3A_100 = arith.minsi %max3A_91, %min3A_94 : vector<768x1xi32>
    %max3A_101 = arith.maxsi %max3A_91, %min3A_94 : vector<768x1xi32>
    %min3A_102 = arith.minsi %max3A_89, %max3A_93 : vector<768x1xi32>
    %max3A_103 = arith.maxsi %max3A_89, %max3A_93 : vector<768x1xi32>
    %min3A_104 = arith.minsi %min3A_98, %min3A_100 : vector<768x1xi32>
    %max3A_105 = arith.maxsi %min3A_98, %min3A_100 : vector<768x1xi32>
    %min3A_106 = arith.minsi %max3A_99, %max3A_95 : vector<768x1xi32>
    %max3A_107 = arith.maxsi %max3A_99, %max3A_95 : vector<768x1xi32>
    %min3A_108 = arith.minsi %max3A_101, %min3A_102 : vector<768x1xi32>
    %max3A_109 = arith.maxsi %max3A_101, %min3A_102 : vector<768x1xi32>
    %min3A_110 = arith.minsi %min3A_96, %min3A_104 : vector<768x1xi32>
    %max3A_111 = arith.maxsi %min3A_96, %min3A_104 : vector<768x1xi32>
    %min3A_112 = arith.minsi %max3A_97, %max3A_105 : vector<768x1xi32>
    %max3A_113 = arith.maxsi %max3A_97, %max3A_105 : vector<768x1xi32>
    %min3A_114 = arith.minsi %min3A_106, %min3A_108 : vector<768x1xi32>
    %max3A_115 = arith.maxsi %min3A_106, %min3A_108 : vector<768x1xi32>
    %min3A_116 = arith.minsi %max3A_107, %max3A_103 : vector<768x1xi32>
    %max3A_117 = arith.maxsi %max3A_107, %max3A_103 : vector<768x1xi32>
    %min3A_118 = arith.minsi %min3A_112, %min3A_114 : vector<768x1xi32>
    %max3A_119 = arith.maxsi %min3A_112, %min3A_114 : vector<768x1xi32>
    %min3A_120 = arith.minsi %max3A_113, %max3A_115 : vector<768x1xi32>
    %max3A_121 = arith.maxsi %max3A_113, %max3A_115 : vector<768x1xi32>
    %min3A_122 = arith.minsi %min3A_116, %max3A_109 : vector<768x1xi32>
    %max3A_123 = arith.maxsi %min3A_116, %max3A_109 : vector<768x1xi32>
    %min3A_124 = arith.minsi %max3A_111, %min3A_118 : vector<768x1xi32>
    %max3A_125 = arith.maxsi %max3A_111, %min3A_118 : vector<768x1xi32>
    %min3A_126 = arith.minsi %max3A_119, %min3A_120 : vector<768x1xi32>
    %max3A_127 = arith.maxsi %max3A_119, %min3A_120 : vector<768x1xi32>
    %min3A_128 = arith.minsi %max3A_121, %min3A_122 : vector<768x1xi32>
    %max3A_129 = arith.maxsi %max3A_121, %min3A_122 : vector<768x1xi32>
    %iota3A_130 = tpu.iota {dimensions = array<i32: 1>} : vector<768x16xi32>
    %broadcast_in_dim3A_131 = arith.constant 0 : i32
    %broadcast_in_dim3A_132 = vector.broadcast %broadcast_in_dim3A_131 : i32 to vector<768x16xi32>
    %eq3A_133 = arith.constant 0 : i32
    %eq3A_134 = vector.broadcast %eq3A_133 : i32 to vector<768x16xi32>
    %eq3A_135 = arith.cmpi eq, %iota3A_130, %eq3A_134 : vector<768x16xi32>
    %add3A_136 = vector.broadcast %mul3A_0 : i32 to vector<768x1xi32>
    %add3A_137 = arith.addi %min3A_110, %add3A_136 : vector<768x1xi32>
    %broadcast_in_dim3A_138 = vector.shape_cast %add3A_137 : vector<768x1xi32> to vector<768x1xi32>
    %broadcast_in_dim3A_139 = vector.broadcast %broadcast_in_dim3A_138 : vector<768x1xi32> to vector<768x16xi32>
    %select_n3A_140 = arith.select %eq3A_135, %broadcast_in_dim3A_139, %broadcast_in_dim3A_132 : vector<768x16xi1>, vector<768x16xi32>
    %eq3A_141 = arith.constant 1 : i32
    %eq3A_142 = vector.broadcast %eq3A_141 : i32 to vector<768x16xi32>
    %eq3A_143 = arith.cmpi eq, %iota3A_130, %eq3A_142 : vector<768x16xi32>
    %add3A_144 = vector.broadcast %mul3A_0 : i32 to vector<768x1xi32>
    %add3A_145 = arith.addi %min3A_124, %add3A_144 : vector<768x1xi32>
    %broadcast_in_dim3A_146 = vector.shape_cast %add3A_145 : vector<768x1xi32> to vector<768x1xi32>
    %broadcast_in_dim3A_147 = vector.broadcast %broadcast_in_dim3A_146 : vector<768x1xi32> to vector<768x16xi32>
    %select_n3A_148 = arith.select %eq3A_143, %broadcast_in_dim3A_147, %select_n3A_140 : vector<768x16xi1>, vector<768x16xi32>
    %eq3A_149 = arith.constant 2 : i32
    %eq3A_150 = vector.broadcast %eq3A_149 : i32 to vector<768x16xi32>
    %eq3A_151 = arith.cmpi eq, %iota3A_130, %eq3A_150 : vector<768x16xi32>
    %add3A_152 = vector.broadcast %mul3A_0 : i32 to vector<768x1xi32>
    %add3A_153 = arith.addi %max3A_125, %add3A_152 : vector<768x1xi32>
    %broadcast_in_dim3A_154 = vector.shape_cast %add3A_153 : vector<768x1xi32> to vector<768x1xi32>
    %broadcast_in_dim3A_155 = vector.broadcast %broadcast_in_dim3A_154 : vector<768x1xi32> to vector<768x16xi32>
    %select_n3A_156 = arith.select %eq3A_151, %broadcast_in_dim3A_155, %select_n3A_148 : vector<768x16xi1>, vector<768x16xi32>
    %eq3A_157 = arith.constant 3 : i32
    %eq3A_158 = vector.broadcast %eq3A_157 : i32 to vector<768x16xi32>
    %eq3A_159 = arith.cmpi eq, %iota3A_130, %eq3A_158 : vector<768x16xi32>
    %add3A_160 = vector.broadcast %mul3A_0 : i32 to vector<768x1xi32>
    %add3A_161 = arith.addi %min3A_126, %add3A_160 : vector<768x1xi32>
    %broadcast_in_dim3A_162 = vector.shape_cast %add3A_161 : vector<768x1xi32> to vector<768x1xi32>
    %broadcast_in_dim3A_163 = vector.broadcast %broadcast_in_dim3A_162 : vector<768x1xi32> to vector<768x16xi32>
    %select_n3A_164 = arith.select %eq3A_159, %broadcast_in_dim3A_163, %select_n3A_156 : vector<768x16xi1>, vector<768x16xi32>
    %eq3A_165 = arith.constant 4 : i32
    %eq3A_166 = vector.broadcast %eq3A_165 : i32 to vector<768x16xi32>
    %eq3A_167 = arith.cmpi eq, %iota3A_130, %eq3A_166 : vector<768x16xi32>
    %add3A_168 = vector.broadcast %mul3A_0 : i32 to vector<768x1xi32>
    %add3A_169 = arith.addi %max3A_127, %add3A_168 : vector<768x1xi32>
    %broadcast_in_dim3A_170 = vector.shape_cast %add3A_169 : vector<768x1xi32> to vector<768x1xi32>
    %broadcast_in_dim3A_171 = vector.broadcast %broadcast_in_dim3A_170 : vector<768x1xi32> to vector<768x16xi32>
    %select_n3A_172 = arith.select %eq3A_167, %broadcast_in_dim3A_171, %select_n3A_164 : vector<768x16xi1>, vector<768x16xi32>
    %eq3A_173 = arith.constant 5 : i32
    %eq3A_174 = vector.broadcast %eq3A_173 : i32 to vector<768x16xi32>
    %eq3A_175 = arith.cmpi eq, %iota3A_130, %eq3A_174 : vector<768x16xi32>
    %add3A_176 = vector.broadcast %mul3A_0 : i32 to vector<768x1xi32>
    %add3A_177 = arith.addi %min3A_128, %add3A_176 : vector<768x1xi32>
    %broadcast_in_dim3A_178 = vector.shape_cast %add3A_177 : vector<768x1xi32> to vector<768x1xi32>
    %broadcast_in_dim3A_179 = vector.broadcast %broadcast_in_dim3A_178 : vector<768x1xi32> to vector<768x16xi32>
    %select_n3A_180 = arith.select %eq3A_175, %broadcast_in_dim3A_179, %select_n3A_172 : vector<768x16xi1>, vector<768x16xi32>
    %eq3A_181 = arith.constant 6 : i32
    %eq3A_182 = vector.broadcast %eq3A_181 : i32 to vector<768x16xi32>
    %eq3A_183 = arith.cmpi eq, %iota3A_130, %eq3A_182 : vector<768x16xi32>
    %add3A_184 = vector.broadcast %mul3A_0 : i32 to vector<768x1xi32>
    %add3A_185 = arith.addi %max3A_129, %add3A_184 : vector<768x1xi32>
    %broadcast_in_dim3A_186 = vector.shape_cast %add3A_185 : vector<768x1xi32> to vector<768x1xi32>
    %broadcast_in_dim3A_187 = vector.broadcast %broadcast_in_dim3A_186 : vector<768x1xi32> to vector<768x16xi32>
    %select_n3A_188 = arith.select %eq3A_183, %broadcast_in_dim3A_187, %select_n3A_180 : vector<768x16xi1>, vector<768x16xi32>
    %eq3A_189 = arith.constant 7 : i32
    %eq3A_190 = vector.broadcast %eq3A_189 : i32 to vector<768x16xi32>
    %eq3A_191 = arith.cmpi eq, %iota3A_130, %eq3A_190 : vector<768x16xi32>
    %add3A_192 = vector.broadcast %mul3A_0 : i32 to vector<768x1xi32>
    %add3A_193 = arith.addi %max3A_123, %add3A_192 : vector<768x1xi32>
    %broadcast_in_dim3A_194 = vector.shape_cast %add3A_193 : vector<768x1xi32> to vector<768x1xi32>
    %broadcast_in_dim3A_195 = vector.broadcast %broadcast_in_dim3A_194 : vector<768x1xi32> to vector<768x16xi32>
    %select_n3A_196 = arith.select %eq3A_191, %broadcast_in_dim3A_195, %select_n3A_188 : vector<768x16xi1>, vector<768x16xi32>
    %eq3A_197 = arith.constant 8 : i32
    %eq3A_198 = vector.broadcast %eq3A_197 : i32 to vector<768x16xi32>
    %eq3A_199 = arith.cmpi eq, %iota3A_130, %eq3A_198 : vector<768x16xi32>
    %add3A_200 = vector.broadcast %mul3A_0 : i32 to vector<768x1xi32>
    %add3A_201 = arith.addi %max3A_117, %add3A_200 : vector<768x1xi32>
    %broadcast_in_dim3A_202 = vector.shape_cast %add3A_201 : vector<768x1xi32> to vector<768x1xi32>
    %broadcast_in_dim3A_203 = vector.broadcast %broadcast_in_dim3A_202 : vector<768x1xi32> to vector<768x16xi32>
    %select_n3A_204 = arith.select %eq3A_199, %broadcast_in_dim3A_203, %select_n3A_196 : vector<768x16xi1>, vector<768x16xi32>
    %swap3A = arith.constant 0 : index
    %swap3A_205 = arith.constant 0 : index
    %swap3A_206 = arith.constant 0 : index
    %swap3A_207 = vector.load %arg8[%swap3A, %swap3A_205, %swap3A_206] : memref<1x768x16xi32, #tpu.memory_space<vmem>>, vector<1x768x16xi32>
    %swap3A_208 = vector.shape_cast %swap3A_207 : vector<1x768x16xi32> to vector<768x16xi32>
    %swap3A_209 = vector.shape_cast %select_n3A_204 : vector<768x16xi32> to vector<1x768x16xi32>
    tpu.vector_store %arg8[%swap3A, %swap3A_205, %swap3A_206], %swap3A_209 {strides = array<i32>} : memref<1x768x16xi32, #tpu.memory_space<vmem>>, vector<1x768x16xi32>,
    %transpose3A = tpu.transpose %get3A_9, [1, 0] : vector<64x768xf32> -> vector<768x64xf32>
    %swap3A_210 = arith.constant 0 : index
    %swap3A_211 = arith.constant 0 : index
    %swap3A_212 = arith.constant 0 : index
    %swap3A_213 = vector.load %arg9[%swap3A_210, %swap3A_211, %swap3A_212] : memref<1x768x128xf32, #tpu.memory_space<vmem>>, vector<1x768x64xf32>
    %swap3A_214 = vector.shape_cast %swap3A_213 : vector<1x768x64xf32> to vector<768x64xf32>
    %swap3A_215 = vector.shape_cast %transpose3A : vector<768x64xf32> to vector<1x768x64xf32>
    tpu.vector_store %arg9[%swap3A_210, %swap3A_211, %swap3A_212], %swap3A_215 {strides = array<i32>} : memref<1x768x128xf32, #tpu.memory_space<vmem>>, vector<1x768x64xf32>,
    %broadcast_in_dim3A_216 = arith.constant 0.000000e+00 : f32
    %broadcast_in_dim3A_217 = vector.broadcast %broadcast_in_dim3A_216 : f32 to vector<768x64xf32>
    %swap3A_218 = arith.constant 0 : index
    %swap3A_219 = arith.constant 0 : index
    %swap3A_220 = arith.constant 64 : index
    %swap3A_221 = vector.load %arg9[%swap3A_218, %swap3A_219, %swap3A_220] : memref<1x768x128xf32, #tpu.memory_space<vmem>>, vector<1x768x64xf32>
    %swap3A_222 = vector.shape_cast %swap3A_221 : vector<1x768x64xf32> to vector<768x64xf32>
    %swap3A_223 = vector.shape_cast %broadcast_in_dim3A_217 : vector<768x64xf32> to vector<1x768x64xf32>
    tpu.vector_store %arg9[%swap3A_218, %swap3A_219, %swap3A_220], %swap3A_223 {strides = array<i32>} : memref<1x768x128xf32, #tpu.memory_space<vmem>>, vector<1x768x64xf32>,
    return
  }
  func.func @transform_0(%arg0: i32, %arg1: i32) -> (i32, i32, i32) {
    %c0_i32 = arith.constant 0 : i32
    %c0_i32_0 = arith.constant 0 : i32
    %c0_i32_1 = arith.constant 0 : i32
    return %arg0, %c0_i32, %c0_i32_0 : i32, i32, i32
  }
  func.func @transform_1(%arg0: i32, %arg1: i32) -> (i32, i32, i32) {
    %c0_i32 = arith.constant 0 : i32
    %c0_i32_0 = arith.constant 0 : i32
    return %arg0, %c0_i32, %arg1 : i32, i32, i32
  }
  func.func @transform_2(%arg0: i32, %arg1: i32) -> (i32, i32) {
    %c0_i32 = arith.constant 0 : i32
    %c0_i32_0 = arith.constant 0 : i32
    %c0_i32_1 = arith.constant 0 : i32
    return %c0_i32, %c0_i32_0 : i32, i32
  }
  func.func @transform_3(%arg0: i32, %arg1: i32) -> (i32, i32) {
    %c0_i32 = arith.constant 0 : i32
    %c0_i32_0 = arith.constant 0 : i32
    %c0_i32_1 = arith.constant 0 : i32
    return %c0_i32, %c0_i32_0 : i32, i32
  }
  func.func @transform_4(%arg0: i32, %arg1: i32) -> (i32, i32) {
    %c0_i32 = arith.constant 0 : i32
    %c0_i32_0 = arith.constant 0 : i32
    %c0_i32_1 = arith.constant 0 : i32
    return %c0_i32, %c0_i32_0 : i32, i32
  }
  func.func @transform_5(%arg0: i32, %arg1: i32) -> (i32, i32) {
    %c0_i32 = arith.constant 0 : i32
    %c0_i32_0 = arith.constant 0 : i32
    %c0_i32_1 = arith.constant 0 : i32
    return %c0_i32, %c0_i32_0 : i32, i32
  }
  func.func @transform_6(%arg0: i32, %arg1: i32) -> (i32, i32, i32) {
    %c0_i32 = arith.constant 0 : i32
    %c0_i32_0 = arith.constant 0 : i32
    return %arg0, %arg1, %c0_i32 : i32, i32, i32
  }
  func.func @transform_7(%arg0: i32, %arg1: i32) -> (i32, i32, i32) {
    %c0_i32 = arith.constant 0 : i32
    %c0_i32_0 = arith.constant 0 : i32
    return %arg0, %arg1, %c0_i32 : i32, i32, i32
  }
}

module attributes {stable_mosaic.version = 14 : i64} {
  func.func @_out_body(%arg0: i32, %arg1: i32, %arg2: memref<384x1152xf32, #tpu.memory_space<vmem>>, %arg3: memref<1152x64xf32, #tpu.memory_space<vmem>>, %arg4: memref<1x64x384xf32, #tpu.memory_space<vmem>>, %arg5: memref<64x1xf32, #tpu.memory_space<vmem>>, %arg6: memref<1x1xf32, #tpu.memory_space<vmem>>, %arg7: memref<1x64x384xf32, #tpu.memory_space<vmem>>) attributes {dimension_semantics = [#tpu.dimension_semantics<arbitrary>, #tpu.dimension_semantics<arbitrary>], iteration_bounds = array<i64: 4, 6>, scalar_prefetch = 0 : i64, scratch_operands = 0 : i64, tpu.core_type = #tpu.core_type<tc>, window_params = [{transform_indices = @transform_0, window_bounds = array<i64: 384, 1152>}, {pipeline_mode = #tpu.pipeline_mode<synchronous>, transform_indices = @transform_1, window_bounds = array<i64: 1152, 64>}, {transform_indices = @transform_2, window_bounds = array<i64: 1, 64, 384>}, {pipeline_mode = #tpu.pipeline_mode<synchronous>, transform_indices = @transform_3, window_bounds = array<i64: 64, 1>}, {pipeline_mode = #tpu.pipeline_mode<synchronous>, transform_indices = @transform_4, window_bounds = array<i64: 1, 1>}, {transform_indices = @transform_5, window_bounds = array<i64: 1, 64, 384>}]} {
    %get3A = arith.constant 0 : index
    %get3A_0 = arith.constant 0 : index
    %get3A_1 = vector.load %arg3[%get3A, %get3A_0] : memref<1152x64xf32, #tpu.memory_space<vmem>>, vector<1152x64xf32>
    %get3A_2 = arith.constant 0 : index
    %get3A_3 = arith.constant 0 : index
    %get3A_4 = vector.load %arg2[%get3A_2, %get3A_3] : memref<384x1152xf32, #tpu.memory_space<vmem>>, vector<384x1152xf32>
    %dot_general3A = arith.constant dense<0.000000e+00> : vector<64x384xf32>
    %dot_general3A_5 = tpu.matmul %get3A_1, %get3A_4, %dot_general3A {dimension_numbers = #tpu.dot_dimension_numbers<[0], [1], [1], [0], [0, 1, 1, 0], [], []>, transpose_lhs_hint = false} : vector<1152x64xf32>, vector<384x1152xf32>, vector<64x384xf32> -> vector<64x384xf32>
    %get3A_6 = arith.constant 0 : index
    %get3A_7 = arith.constant 0 : index
    %get3A_8 = vector.load %arg5[%get3A_6, %get3A_7] : memref<64x1xf32, #tpu.memory_space<vmem>>, vector<64x1xf32>
    %add3A = vector.broadcast %get3A_8 : vector<64x1xf32> to vector<64x384xf32>
    %add3A_9 = arith.addf %dot_general3A_5, %add3A : vector<64x384xf32>
    %max3A = arith.constant 0.000000e+00 : f32
    %max3A_10 = vector.broadcast %max3A : f32 to vector<64x384xf32>
    %max3A_11 = arith.maximumf %add3A_9, %max3A_10 : vector<64x384xf32>
    %get3A_12 = arith.constant 0 : index
    %get3A_13 = arith.constant 0 : index
    %get3A_14 = vector.load %arg6[%get3A_12, %get3A_13] : memref<1x1xf32, #tpu.memory_space<vmem>>, vector<1x1xf32>
    %get3A_15 = vector.extract %get3A_14[0, 0] : f32 from vector<1x1xf32>
    %mul3A = vector.broadcast %get3A_15 : f32 to vector<64x384xf32>
    %mul3A_16 = arith.mulf %mul3A, %max3A_11 : vector<64x384xf32>
    %get3A_17 = arith.constant 0 : index
    %get3A_18 = arith.constant 0 : index
    %get3A_19 = arith.constant 0 : index
    %get3A_20 = vector.load %arg4[%get3A_17, %get3A_18, %get3A_19] : memref<1x64x384xf32, #tpu.memory_space<vmem>>, vector<1x64x384xf32>
    %get3A_21 = vector.shape_cast %get3A_20 : vector<1x64x384xf32> to vector<64x384xf32>
    %add3A_22 = arith.addf %mul3A_16, %get3A_21 : vector<64x384xf32>
    %swap3A = arith.constant 0 : index
    %swap3A_23 = arith.constant 0 : index
    %swap3A_24 = arith.constant 0 : index
    %swap3A_25 = vector.load %arg7[%swap3A, %swap3A_23, %swap3A_24] : memref<1x64x384xf32, #tpu.memory_space<vmem>>, vector<1x64x384xf32>
    %swap3A_26 = vector.shape_cast %swap3A_25 : vector<1x64x384xf32> to vector<64x384xf32>
    %swap3A_27 = vector.shape_cast %add3A_22 : vector<64x384xf32> to vector<1x64x384xf32>
    tpu.vector_store %arg7[%swap3A, %swap3A_23, %swap3A_24], %swap3A_27 {strides = array<i32>} : memref<1x64x384xf32, #tpu.memory_space<vmem>>, vector<1x64x384xf32>,
    return
  }
  func.func @transform_0(%arg0: i32, %arg1: i32) -> (i32, i32) {
    %mul3A = arith.constant 6 : i32
    %mul3A_0 = arith.muli %arg0, %mul3A : i32
    %add3A = arith.addi %mul3A_0, %arg1 : i32
    %c0_i32 = arith.constant 0 : i32
    %c0_i32_1 = arith.constant 0 : i32
    return %add3A, %c0_i32 : i32, i32
  }
  func.func @transform_1(%arg0: i32, %arg1: i32) -> (i32, i32) {
    %c0_i32 = arith.constant 0 : i32
    %c0_i32_0 = arith.constant 0 : i32
    %c0_i32_1 = arith.constant 0 : i32
    return %c0_i32, %c0_i32_0 : i32, i32
  }
  func.func @transform_2(%arg0: i32, %arg1: i32) -> (i32, i32, i32) {
    %c0_i32 = arith.constant 0 : i32
    %c0_i32_0 = arith.constant 0 : i32
    return %arg0, %c0_i32, %arg1 : i32, i32, i32
  }
  func.func @transform_3(%arg0: i32, %arg1: i32) -> (i32, i32) {
    %c0_i32 = arith.constant 0 : i32
    %c0_i32_0 = arith.constant 0 : i32
    %c0_i32_1 = arith.constant 0 : i32
    return %c0_i32, %c0_i32_0 : i32, i32
  }
  func.func @transform_4(%arg0: i32, %arg1: i32) -> (i32, i32) {
    %c0_i32 = arith.constant 0 : i32
    %c0_i32_0 = arith.constant 0 : i32
    %c0_i32_1 = arith.constant 0 : i32
    return %c0_i32, %c0_i32_0 : i32, i32
  }
  func.func @transform_5(%arg0: i32, %arg1: i32) -> (i32, i32, i32) {
    %c0_i32 = arith.constant 0 : i32
    %c0_i32_0 = arith.constant 0 : i32
    return %arg0, %c0_i32, %arg1 : i32, i32, i32
  }
}

</mosaic_0001>

<sc_bundles>
// kernel: kernel.5.cloned.1.call-start
scs
__scs_entry_jumppad:
0x0: {  	(pc) =	sbr.rel $0x88, $3  }
0x1: {  	(tag) =	ssettag $0x0;
	lr =	simm.s32 $0x1  }
0x2: {  	[smem:$0x3F99] =	sst lr;
	_ =	strace $0xD0000000  }
0x3: {  	_ = 	snop  }
0x4: {  	_ = 	snop  }
0x5: {  	_ = 	snop  }
0x6: {  	_ = 	snop  }
0x7: {  	_ = 	snop  }
__scs_overlays_trampoline_lowered:
0x8: {  	[smem:$0x3FA8] =	sst s0  }
0x9: {  	[smem:$0x3FA9] =	sst s1  }
0xa: {  	[smem:$0x3FAA] =	sst s2  }
0xb: {  	[smem:$0x3FAB] =	sst s3  }
0xc: {  	[smem:$0x3FAC] =	sst s4  }
0xd: {  	[smem:$0x3FAD] =	sst s5  }
0xe: {  	[smem:$0x3FAE] =	sst s6  }
0xf: {  	[smem:$0x3FAF] =	sst s7  }
0x10: {  	[smem:$0x3FB0] =	sst s8  }
0x11: {  	[smem:$0x3FB1] =	sst s9;
	s0 =	simm.s32 @!p0 $0x0  }
0x12: {  	s1 =	sld [smem:$0x3F97];
	s0 =	simm.s32 @p0 $0x1  }
0x13: {  	[smem:$0x3FB2] =	sst s0;
	s0 =	simm.s32 @!p1 $0x0  }
0x14: {  	s2 =	sld [smem:$0x3F96];
	s0 =	simm.s32 @p1 $0x1  }
0x15: {  	[smem:$0x3FB3] =	sst s0;
	s0 =	simm.s32 @!p2 $0x0  }
0x16: {  	s3 =	sld [smem:$0x3FDB];
	s0 =	simm.s32 @p2 $0x1  }
0x17: {  	s4 =	simm.s32 $0x1BF5;
	[smem:$0x3FB5] =	sst s0  }
0x18: {  	s0 =	sld [smem:$0x3F98];
	_ =	swait.ge [sflag:s4], $0x0  }
0x19: {  	s7 =	sld [smem:$0x3F99]  }
0x1a: {  	s8 =	sadd.s32 $0xFFFFE003, lr  }
0x1b: {  	s9 =	sadd.s32 $0xFFFFFEF7, lr;
	s5 =	simm.s32 $0xFFFFFFFF;
	p2 =	slt.u32 s8, $0xFFFFF086  }
0x1c: {  	p1 =	slt.u32 s9, $0xF7A;
	s5 =	simm.s32 @!p2 $0x0  }
0x1d: {  	s5 =	simm.s32 @p1 $0x1;
	p0 =	seq.s32 s7, s2  }
0x1e: {  	s7 =	smul.u32 @!p0 $0xF7A, s2;
	p2 =	seq.s32 @!p0 s5, $0x0  }
0x1f: {  	s9 =	smul.u32 $0xF7A, s1;
	s8 =	simm.s32 @!p0 $0x1BF5;
	p2 =	por !p2, p0  }
0x20: {  	[sflag:s8] =	ssyncset.s32 @!p0 $0xFFFFF086;
	s6 =	sadd.s32 @!p0 s3, s7;
	s7 =	simm.s32 @!p0 $0x108  }
0x21: {  	s3 =	sadd.s32 s3, s9;
	s6 =	sadd.s32 @!p0 $0x88, s6;
	s7 =	simm.s32 @p2 $0x1082  }
0x22: {  	[simem:s7], [sflag:s8] =	dma.local @!p0 [hbm:s6], $0xF7A  }
0x23: {  	s9 =	sor.u32 $0xD0000000, s2;
	s6 =	simm.s32 $0x108;
	_ =	swait.ge @!p0 [sflag:s8], $0x0  }
0x24: {  	s3 =	sadd.s32 $0x88, s3;
	s6 =	simm.s32 @!p1 $0x1082;
	[sflag:s4] =	ssyncset.s32 $0xFFFFF086  }
0x25: {  	[simem:s6], [sflag:s4] =	dma.local [hbm:s3], $0xF7A  }
0x26: {  	[smem:$0x3F99] =	sst s1;
	(tag) =	ssettag s2;
	_ =	strace s9  }
0x27: {  	s1 =	sld [smem:$0x3FA9]  }
0x28: {  	s2 =	sld [smem:$0x3FAA]  }
0x29: {  	s4 =	sld [smem:$0x3FAC]  }
0x2a: {  	p0 =	seq.s32 s5, $0x0;
	s5 =	sld [smem:$0x3FAD]  }
0x2b: {  	s6 =	sld [smem:$0x3FAE]  }
0x2c: {  	s7 =	sld [smem:$0x3FAF]  }
0x2d: {  	s3 =	simm.s32 $0x108;
	s8 =	sld [smem:$0x3FB0]  }
0x2e: {  	s3 =	simm.s32 @!p0 $0x1082;
	s9 =	sld [smem:$0x3FB1]  }
0x2f: {  	lr =	sadd.s32 s0, s3;
	s0 =	sld [smem:$0x3FA8]  }
0x30: {  	s3 =	sld [smem:$0x3FAB]  }
0x31: {  	[smem:$0x3FB4] =	sst s10  }
0x32: {  	s10 =	sld [smem:$0x3FB2];
	_ =	sdelay $0x3  }
0x33: {  	p0 =	seq.s32 s10, $0x1;
	s10 =	sld [smem:$0x3FB4];
	_ =	sdelay $0x3  }
0x34: {  	[smem:$0x3FB4] =	sst s10  }
0x35: {  	s10 =	sld [smem:$0x3FB3];
	_ =	sdelay $0x3  }
0x36: {  	p1 =	seq.s32 s10, $0x1;
	s10 =	sld [smem:$0x3FB4];
	_ =	sdelay $0x3  }
0x37: {  	[smem:$0x3FB4] =	sst s10  }
0x38: {  	s10 =	sld [smem:$0x3FB5]  }
0x39: {  	_ = 	snop;
	(pc) =	sbr.ind lr, $3  }
0x3a: {  	_ = 	snop  }
0x3b: {  	_ = 	snop  }
0x3c: {  	p2 =	seq.s32 s10, $0x1;
	s10 =	sld [smem:$0x3FB4]  }
0x3d: {  	_ =	shalt  }
0x3e: {  	_ =	shalt  }
0x3f: {  	_ =	shalt  }
0x40: {  	_ =	shalt  }
0x41: {  	_ =	shalt  }
0x42: {  	_ =	shalt  }
0x43: {  	_ =	shalt  }
0x44: {  	_ =	shalt  }
0x45: {  	_ =	shalt  }
0x46: {  	_ =	shalt  }
0x47: {  	_ =	shalt  }
0x48: {  	_ =	shalt  }
0x49: {  	_ =	shalt  }
0x4a: {  	_ =	shalt  }
0x4b: {  	_ =	shalt  }
0x4c: {  	_ =	shalt  }
0x4d: {  	_ =	shalt  }
0x4e: {  	_ =	shalt  }
0x4f: {  	_ =	shalt  }
0x50: {  	_ =	shalt  }
0x51: {  	_ =	shalt  }
0x52: {  	_ =	shalt  }
0x53: {  	_ =	shalt  }
0x54: {  	_ =	shalt  }
0x55: {  	_ =	shalt  }
0x56: {  	_ =	shalt  }
0x57: {  	_ =	shalt  }
0x58: {  	_ =	shalt  }
0x59: {  	_ =	shalt  }
0x5a: {  	_ =	shalt  }
0x5b: {  	_ =	shalt  }
0x5c: {  	_ =	shalt  }
0x5d: {  	_ =	shalt  }
0x5e: {  	_ =	shalt  }
0x5f: {  	_ =	shalt  }
0x60: {  	_ =	shalt  }
0x61: {  	_ =	shalt  }
0x62: {  	_ =	shalt  }
0x63: {  	_ =	shalt  }
0x64: {  	_ =	shalt  }
0x65: {  	_ =	shalt  }
0x66: {  	_ =	shalt  }
0x67: {  	_ =	shalt  }
0x68: {  	_ =	shalt  }
0x69: {  	_ =	shalt  }
0x6a: {  	_ =	shalt  }
0x6b: {  	_ =	shalt  }
0x6c: {  	_ =	shalt  }
0x6d: {  	_ =	shalt  }
0x6e: {  	_ =	shalt  }
0x6f: {  	_ =	shalt  }
0x70: {  	_ =	shalt  }
0x71: {  	_ =	shalt  }
0x72: {  	_ =	shalt  }
0x73: {  	_ =	shalt  }
0x74: {  	_ =	shalt  }
0x75: {  	_ =	shalt  }
0x76: {  	_ =	shalt  }
0x77: {  	_ =	shalt  }
0x78: {  	_ =	shalt  }
0x79: {  	_ =	shalt  }
0x7a: {  	_ =	shalt  }
0x7b: {  	_ =	shalt  }
0x7c: {  	_ =	shalt  }
0x7d: {  	_ =	shalt  }
0x7e: {  	_ =	shalt  }
0x7f: {  	_ =	shalt  }
0x80: {  	_ =	shalt  }
0x81: {  	_ =	shalt  }
0x82: {  	_ =	shalt  }
0x83: {  	_ =	shalt  }
0x84: {  	_ =	shalt  }
0x85: {  	_ =	shalt  }
0x86: {  	_ =	shalt  }
0x87: {  	_ =	shalt  }
.Lfunc_end0:
.L_simem_size_0:
called_computation_lowered:
.L_overlay_start_0:
0x88: {  	s2 =	sld [smem:$0x3FD9]  }
0x89: {  	s3 =	sld [smem:$0x3FFE];
	_ =	sdelay $0x1  }
0x8a: {  	s1 =	srdreg.scid  }
0x8b: {  	s0 =	sand.u32 $0x1, s1  }
0x8c: {  	s17 =	sshll.u32 s0, $0xA;
	s2 =	sadd.s32 s3, s2  }
0x8d: {  	s2 =	sadd.s32 s2, s17  }
0x8e: {  	[smem:$0x3FC0] =	sst s2  }
0x8f: {  	_ = 	snop  }
0x90: {  	s2 =	sld [smem:$0x3FD0];
	(tm) =	ssettm $0x1  }
0x91: {  	s18 =	sld [smem:$0x3FFB];
	_ =	sdelay $0x3  }
0x92: {  	_ =	strace s18  }
0x93: {  	s3 =	sld [smem:$0x3FFC];
	_ =	sdelay $0x3  }
0x94: {  	_ =	strace s3  }
0x95: {  	s3 =	sld [smem:$0x3FFD];
	_ =	sdelay $0x3  }
0x96: {  	_ =	strace s3  }
0x97: {  	_ =	strace $0x8FFFFFFF  }
0x98: {  	s19 =	sld [smem:$0x3FDB];
	_ =	sdelay $0x1  }
0x99: {  	s4 =	simm.s32 $_scs_section_size  }
0x9a: {  	s5 =	simm.s32 $_size__tile_overlayer_lowered;
	s6 =	simm.s32 $_tile_overlayer_lowered  }
0x9b: {  	s22 =	simm.s32 $0x1BFF;
	s21 =	sshll.u32 s6, $0x1;
	s3 =	sadd.s32 s4, s19  }
0x9c: {  	s7 =	simm.s32 $0x0;
	s20 =	sshll.u32 s5, $0x1;
	s5 =	sadd.s32 s21, s3  }
0x9d: {  	[timem:s7], [sflag:s22] =	dma.local [hbm:s5], s20  }
0x9e: {  	_ =	swait.ge [sflag:s22], s20  }
0x9f: {  	s4 =	ssub.s32 $0x0, s20;
	[sflag:s22] =	ssyncset.done $0x0  }
0xa0: {  	[sflag:s22] =	ssyncadd.s32 s4;
	_ =	sdelay $0x1  }
0xa1: {  	s23 =	simm.s32 $0x1B8B  }
0xa2: {  	_ =	swait.ge [sflag:s23], $0x1  }
0xa3: {  	[sflag:s23] =	ssyncset.done $0x0  }
0xa4: {  	s25 =	simm.s32 $0x1B8E;
	s24 =	sld [smem:$0x3FFE];
	[sflag:s23] =	ssyncadd.s32 $0xFFFFFFFF  }
0xa5: {  	s26 =	simm.s32 $execute0_lowered;
	[smem:$0x3FD2] =	sst s25  }
0xa6: {  	s5 =	sshll.u32 s26, $0x1;
	_ =	strace $0x80000046;
	[dreg:$0x1] =	wrdreg $0xFFFFFFFF  }
0xa7: {  	s28 =	simm.s32 $_size_execute0_lowered;
	s3 =	sadd.s32 s3, s5;
	[dreg:$0x0] =	wrdreg $0x0  }
0xa8: {  	s5 =	sshll.u32 s28, $0x1;
	[dreg:$0x2] =	wrdreg s3  }
0xa9: {  	[dreg:$0x3] =	wrdreg s5  }
0xaa: {  	[dreg:$0x4] =	wrdreg $0xC0  }
0xab: {  	_ =	task [dreg:s7], $0x5FFFF  }
0xac: {  	[dreg:$0x1] =	wrdreg $0xFFFFFFFF  }
0xad: {  	[dreg:$0x0] =	wrdreg $0x60  }
0xae: {  	[dreg:$0x2] =	wrdreg s2  }
0xaf: {  	[dreg:$0x3] =	wrdreg s24  }
0xb0: {  	[dreg:$0x4] =	wrdreg $0x9  }
0xb1: {  	_ =	task.clear_ibuf [dreg:s7], $0x5FFFF;
	_ =	strace $0x90000046  }
0xb2: {  	s29 =	simm.s32 $0x9;
	_ =	strace $0x80000048  }
0xb3: {  	_ =	swait.ge [sflag:s29], $0x1  }
0xb4: {  	[sflag:s29] =	ssyncadd.s32 $0xFFFFFFFF  }
0xb5: {  	_ =	strace $0x90000048  }
0xb6: {  	_ =	sfence  }
0xb7: {  	s30 =	sld [smem:$0x0];
	_ =	sdelay $0x2  }
0xb8: {  	s31 =	sshll.u32 s1, $0xD;
	s1 =	sshrl.u32 s1, $0x2  }
0xb9: {  	s3 =	sand.u32 $0x4000, s31;
	s1 =	sadd.s32 s1, s30  }
0xba: {  	s0 =	sor.u32 s3, s0;
	s1 =	sshll.u32 s1, $0x11  }
0xbb: {  	s0 =	sor.u32 s1, s0  }
0xbc: {  	s0 =	sadd.s32 $0x8F2B, s0  }
0xbd: {  	[sflag:s0] =	ssyncadd.remote.s32 $0x1  }
0xbe: {  	_ =	sfence.sel $0xFFFF  }
0xbf: {  	[dreg:$0x0] =	wrdreg $0xFFFFFFFF;
	(pc) =	sbr.abs _section_cstart, $3  }
0xc0: {  	[dreg:$0x1] =	wrdreg $0xFFFFFFFF  }
0xc1: {  	_ =	task.clear_ibuf [dreg:s7], $0x2FFFF;
	_ =	strace $0x9FFFFFFF  }
0xc2: {  	(tm) =	ssettm $0x7FFFFFFF  }
0xc3: {  	_ =	shalt  }
tec
execute0_lowered:
.L_overlay_start_1:
0x0: {  	(tag) =	ssettag $0x1  }
0x1: {  	s0 =	srdreg.scid;
	s2 =	stileid.u32  }
0x2: {  	s3 =	rddreg [dreg:$0x0];
	s1 =	sand.u32 $0x1, s0;
	s9 =	sshll.u32 s2, $0x1  }
0x3: {  	s4 =	rddreg [dreg:$0x1];
	s0 =	sor.u32 s1, s9  }
0x4: {  	s2 =	simm.s32 $0x0;
	s5 =	sshll.u32 s0, $0x9;
	s6 =	smul.u32 $0x51000, s0  }
0x5: {  	[smem:$0x7FF] =	sst s2;
	s0 =	smul.u32 $0xA200, s0;
	s5 =	sadd.s32 s5, s4  }
0x6: {  	_ =	strace $0x80000047;
	s4 =	sadd.s32 $0x5400, s4;
	s5 =	sadd.s32 $0x1400, s5  }
0x7: {  	s6 =	sshrl.u32 s6, $0x3;
	s0 =	sadd.s32 s4, s0;
	[dreg:$0x3] =	wrdreg s5  }
0x8: {  	s4 =	sadd.s32 s4, s6;
	[dreg:$0x4] =	wrdreg s0  }
0x9: {  	s10 =	sadd.s32 $0x600, s4;
	s0 =	rddreg [dreg:$0x3]  }
0xa: {  	s11 =	sadd.s32 $0xC00, s4;
	[dreg:$0x5] =	wrdreg s10  }
0xb: {  	s12 =	sadd.s32 $0x1200, s4;
	[dreg:$0x6] =	wrdreg s11  }
0xc: {  	s13 =	sadd.s32 $0x1800, s4;
	[dreg:$0x7] =	wrdreg s12  }
0xd: {  	s14 =	sadd.s32 $0x1E00, s4;
	[dreg:$0x8] =	wrdreg s13  }
0xe: {  	s15 =	sadd.s32 $0x2400, s4;
	[dreg:$0x9] =	wrdreg s14  }
0xf: {  	s16 =	sadd.s32 $0x2A00, s4;
	[dreg:$0xa] =	wrdreg s15  }
0x10: {  	s17 =	sadd.s32 $0x3000, s4;
	[dreg:$0xb] =	wrdreg s16  }
0x11: {  	s18 =	sadd.s32 $0x3600, s4;
	[dreg:$0xc] =	wrdreg s17  }
0x12: {  	s19 =	sadd.s32 $0x3C00, s4;
	[dreg:$0xd] =	wrdreg s18  }
0x13: {  	s20 =	sadd.s32 $0x4200, s4;
	[dreg:$0xe] =	wrdreg s19  }
0x14: {  	s21 =	sadd.s32 $0x4800, s4;
	[dreg:$0xf] =	wrdreg s20  }
0x15: {  	s22 =	sadd.s32 $0x4E00, s4;
	[dreg:$0x10] =	wrdreg s21  }
0x16: {  	s23 =	sadd.s32 $0x5400, s4;
	[dreg:$0x11] =	wrdreg s22  }
0x17: {  	s24 =	sadd.s32 $0x5A00, s4;
	[dreg:$0x12] =	wrdreg s23  }
0x18: {  	s25 =	sadd.s32 $0x6000, s4;
	[dreg:$0x13] =	wrdreg s24  }
0x19: {  	s31 =	simm.s32 $0x300;
	s26 =	sadd.s32 $0x6600, s4;
	[dreg:$0x14] =	wrdreg s25  }
0x1a: {  	s30 =	simm.s32 $0x380;
	s5 =	sadd.s32 $0x6C00, s4;
	[dreg:$0x15] =	wrdreg s26  }
0x1b: {  	s29 =	simm.s32 $0x400;
	s6 =	sadd.s32 $0x7200, s4;
	[dreg:$0x16] =	wrdreg s5  }
0x1c: {  	s28 =	simm.s32 $0x480;
	s7 =	sadd.s32 $0x7800, s4;
	[dreg:$0x17] =	wrdreg s6  }
0x1d: {  	p0 =	por $0x0, $0x0;
	s8 =	sadd.s32 $0x7E00, s4;
	[dreg:$0x18] =	wrdreg s7  }
0x1e: {  	s1 =	ssub.s32 $0x2, s1;
	s9 =	sadd.s32 $0x8400, s4;
	[dreg:$0x19] =	wrdreg s8  }
0x1f: {  	[dreg:$0x1a] =	wrdreg s9;
	s10 =	sadd.s32 $0x8A00, s4;
	s11 =	sadd.s32 $0x9000, s4  }
0x20: {  	s12 =	sadd.s32 $0x9600, s4;
	s13 =	sshrl.u32 s1, $0x1;
	s14 =	sadd.s32 $0x9C00, s4  }
0x21: {  	s4 =	simm.s32 $0x3;
	s22 =	simm.s32 $0x80;
	s7 =	simm.s32 $0x60  }
0x22: {  	s23 =	simm.s32 $0x100;
	s5 =	simm.s32 $0x1000;
	[dreg:$0x1b] =	wrdreg s10  }
0x23: {  	s24 =	simm.s32 $0x180;
	s8 =	simm.s32 $0x4000;
	[dreg:$0x1c] =	wrdreg s11  }
0x24: {  	s25 =	simm.s32 $0x200;
	s6 =	simm.s32 $0x1;
	[dreg:$0x1d] =	wrdreg s12  }
0x25: {  	s26 =	simm.s32 $0x280;
	s9 =	simm.s32 $0x2;
	[dreg:$0x1e] =	wrdreg s14  }
0x26: {  	s21 =	simm.s32 $0x780;
	s20 =	simm.s32 $0x800;
	[dreg:$0x1f] =	wrdreg s22  }
0x27: {  	s19 =	simm.s32 $0x880;
	s1 =	ssub.s32 s1, s13;
	[smem:$0x7FA] =	sst s23  }
0x28: {  	s18 =	simm.s32 $0x900;
	[smem:$0x7FB] =	sst s24;
	s15 =	smax.u32 s1, $0x1  }
0x29: {  	s17 =	simm.s32 $0x980;
	[smem:$0x7FC] =	sst s25;
	p1 =	sne.s32 s15, $0x1  }
.Ltmp0:
0x2a: {  	s16 =	simm.s32 $0xA00;
	[smem:$0x7FD] =	sst s26;
	(pc) =	sbr.rel @!p1 .LBB2_3-.Ltmp0, $4  }
0x2b: {  	s26 =	simm.s32 $0x500;
	s25 =	simm.s32 $0x580;
	s24 =	simm.s32 $0x600  }
0x2c: {  	s23 =	simm.s32 $0x680;
	s22 =	simm.s32 $0x700;
	s14 =	simm.s32 $0xB00  }
0x2d: {  	s13 =	simm.s32 $0xB80;
	s12 =	simm.s32 $0xC00;
	s11 =	simm.s32 $0xC80  }
0x2e: {  	s10 =	simm.s32 $0xD00;
	s1 =	sadd.s32 $0xFFFFFFFF, s15;
	s15 =	simm.s32 $0xA80  }
0x2f: {  	[tilespmem:s2], [sflag:$0x3] =	stream.linear.gather [hbm4b:s0+s2], $0xD80, $0x38;
	[tilespmem:$0x7000] =	vst v63  }
0x30: {  	_ =	swait.ge [sflag:s4], $0xD80  }
0x31: {  	[sflag:s4] =	ssyncset.done $0x0  }
0x32: {  	[sflag:s4] =	ssyncadd.s32 $0xFFFFF280  }
0x33: {  	[tilespmem:s5], [sflag:$0x1] =	stream.indirect.gather [hbm4b:s3+s7], $0x80, s2, s7, $0xb8;
	[tilespmem:$0x7000] =	vst v63  }
0x34: {  	s0 =	rddreg [dreg:$0x1f]  }
0x35: {  	[tilespmem:s8], [sflag:$0x2] =	stream.indirect.gather [hbm4b:s3+s7], $0x80, s0, s7, $0xb8;
	[tilespmem:$0x7000] =	vst v63  }
0x36: {  	_ =	swait.ge [sflag:s6], $0x3000  }
0x37: {  	[sflag:s6] =	ssyncset.done $0x0  }
0x38: {  	s0 =	rddreg [dreg:$0x4];
	[sflag:s6] =	ssyncadd.s32 $0xFFFFD000  }
0x39: {  	[hbm4b:s0+s2] =	stream.linear.scatter [tilespmem:s5], [sflag:$0x3], $0x3000, $0x38;
	[tilespmem:$0x7000] =	vst v63  }
0x3a: {  	_ =	swait.ge [sflag:s4], $0x3000  }
0x3b: {  	s0 =	sld [smem:$0x7FA]  }
0x3c: {  	[sflag:s4] =	ssyncset.done $0x0  }
0x3d: {  	[sflag:s4] =	ssyncadd.s32 $0xFFFFD000  }
0x3e: {  	[tilespmem:s5], [sflag:$0x1] =	stream.indirect.gather [hbm4b:s3+s7], $0x80, s0, s7, $0xb8;
	[tilespmem:$0x7000] =	vst v63  }
0x3f: {  	_ =	swait.ge [sflag:s9], $0x3000  }
0x40: {  	[sflag:s9] =	ssyncset.done $0x0  }
0x41: {  	s0 =	rddreg [dreg:$0x5];
	[sflag:s9] =	ssyncadd.s32 $0xFFFFD000  }
0x42: {  	[hbm4b:s0+s2] =	stream.linear.scatter [tilespmem:s8], [sflag:$0x3], $0x3000, $0x38;
	[tilespmem:$0x7000] =	vst v63  }
0x43: {  	_ =	swait.ge [sflag:s4], $0x3000  }
0x44: {  	s0 =	sld [smem:$0x7FB]  }
0x45: {  	[sflag:s4] =	ssyncset.done $0x0  }
0x46: {  	[sflag:s4] =	ssyncadd.s32 $0xFFFFD000  }
0x47: {  	[tilespmem:s8], [sflag:$0x2] =	stream.indirect.gather [hbm4b:s3+s7], $0x80, s0, s7, $0xb8;
	[tilespmem:$0x7000] =	vst v63  }
0x48: {  	_ =	swait.ge [sflag:s6], $0x3000  }
0x49: {  	[sflag:s6] =	ssyncset.done $0x0  }
0x4a: {  	s0 =	rddreg [dreg:$0x6];
	[sflag:s6] =	ssyncadd.s32 $0xFFFFD000  }
0x4b: {  	[hbm4b:s0+s2] =	stream.linear.scatter [tilespmem:s5], [sflag:$0x3], $0x3000, $0x38;
	[tilespmem:$0x7000] =	vst v63  }
0x4c: {  	_ =	swait.ge [sflag:s4], $0x3000  }
0x4d: {  	s0 =	sld [smem:$0x7FC]  }
0x4e: {  	[sflag:s4] =	ssyncset.done $0x0  }
0x4f: {  	[sflag:s4] =	ssyncadd.s32 $0xFFFFD000  }
0x50: {  	[tilespmem:s5], [sflag:$0x1] =	stream.indirect.gather [hbm4b:s3+s7], $0x80, s0, s7, $0xb8;
	[tilespmem:$0x7000] =	vst v63  }
0x51: {  	_ =	swait.ge [sflag:s9], $0x3000  }
0x52: {  	[sflag:s9] =	ssyncset.done $0x0  }
0x53: {  	s0 =	rddreg [dreg:$0x7];
	[sflag:s9] =	ssyncadd.s32 $0xFFFFD000  }
0x54: {  	[hbm4b:s0+s2] =	stream.linear.scatter [tilespmem:s8], [sflag:$0x3], $0x3000, $0x38;
	[tilespmem:$0x7000] =	vst v63  }
0x55: {  	_ =	swait.ge [sflag:s4], $0x3000  }
0x56: {  	s0 =	sld [smem:$0x7FD]  }
0x57: {  	[sflag:s4] =	ssyncset.done $0x0  }
0x58: {  	[sflag:s4] =	ssyncadd.s32 $0xFFFFD000  }
0x59: {  	[tilespmem:s8], [sflag:$0x2] =	stream.indirect.gather [hbm4b:s3+s7], $0x80, s0, s7, $0xb8;
	[tilespmem:$0x7000] =	vst v63  }
0x5a: {  	_ =	swait.ge [sflag:s6], $0x3000  }
0x5b: {  	[sflag:s6] =	ssyncset.done $0x0  }
0x5c: {  	s0 =	rddreg [dreg:$0x8];
	[sflag:s6] =	ssyncadd.s32 $0xFFFFD000  }
0x5d: {  	[hbm4b:s0+s2] =	stream.linear.scatter [tilespmem:s5], [sflag:$0x3], $0x3000, $0x38;
	[tilespmem:$0x7000] =	vst v63  }
0x5e: {  	_ =	swait.ge [sflag:s4], $0x3000  }
0x5f: {  	[sflag:s4] =	ssyncset.done $0x0  }
0x60: {  	[sflag:s4] =	ssyncadd.s32 $0xFFFFD000  }
0x61: {  	[tilespmem:s5], [sflag:$0x1] =	stream.indirect.gather [hbm4b:s3+s7], $0x80, s31, s7, $0xb8;
	[tilespmem:$0x7000] =	vst v63  }
0x62: {  	_ =	swait.ge [sflag:s9], $0x3000  }
0x63: {  	[sflag:s9] =	ssyncset.done $0x0  }
0x64: {  	s0 =	rddreg [dreg:$0x9];
	[sflag:s9] =	ssyncadd.s32 $0xFFFFD000  }
0x65: {  	[hbm4b:s0+s2] =	stream.linear.scatter [tilespmem:s8], [sflag:$0x3], $0x3000, $0x38;
	[tilespmem:$0x7000] =	vst v63  }
0x66: {  	_ =	swait.ge [sflag:s4], $0x3000  }
0x67: {  	[sflag:s4] =	ssyncset.done $0x0  }
0x68: {  	[sflag:s4] =	ssyncadd.s32 $0xFFFFD000  }
0x69: {  	[tilespmem:s8], [sflag:$0x2] =	stream.indirect.gather [hbm4b:s3+s7], $0x80, s30, s7, $0xb8;
	[tilespmem:$0x7000] =	vst v63  }
0x6a: {  	_ =	swait.ge [sflag:s6], $0x3000  }
0x6b: {  	[sflag:s6] =	ssyncset.done $0x0  }
0x6c: {  	s0 =	rddreg [dreg:$0xa];
	[sflag:s6] =	ssyncadd.s32 $0xFFFFD000  }
0x6d: {  	[hbm4b:s0+s2] =	stream.linear.scatter [tilespmem:s5], [sflag:$0x3], $0x3000, $0x38;
	[tilespmem:$0x7000] =	vst v63  }
0x6e: {  	_ =	swait.ge [sflag:s4], $0x3000  }
0x6f: {  	[sflag:s4] =	ssyncset.done $0x0  }
0x70: {  	[sflag:s4] =	ssyncadd.s32 $0xFFFFD000  }
0x71: {  	[tilespmem:s5], [sflag:$0x1] =	stream.indirect.gather [hbm4b:s3+s7], $0x80, s29, s7, $0xb8;
	[tilespmem:$0x7000] =	vst v63  }
0x72: {  	_ =	swait.ge [sflag:s9], $0x3000  }
0x73: {  	[sflag:s9] =	ssyncset.done $0x0  }
0x74: {  	s0 =	rddreg [dreg:$0xb];
	[sflag:s9] =	ssyncadd.s32 $0xFFFFD000  }
0x75: {  	[hbm4b:s0+s2] =	stream.linear.scatter [tilespmem:s8], [sflag:$0x3], $0x3000, $0x38;
	[tilespmem:$0x7000] =	vst v63  }
0x76: {  	_ =	swait.ge [sflag:s4], $0x3000  }
0x77: {  	[sflag:s4] =	ssyncset.done $0x0  }
0x78: {  	[sflag:s4] =	ssyncadd.s32 $0xFFFFD000  }
0x79: {  	[tilespmem:s8], [sflag:$0x2] =	stream.indirect.gather [hbm4b:s3+s7], $0x80, s28, s7, $0xb8;
	[tilespmem:$0x7000] =	vst v63  }
0x7a: {  	_ =	swait.ge [sflag:s6], $0x3000  }
0x7b: {  	[sflag:s6] =	ssyncset.done $0x0  }
0x7c: {  	s0 =	rddreg [dreg:$0xc];
	[sflag:s6] =	ssyncadd.s32 $0xFFFFD000  }
0x7d: {  	[hbm4b:s0+s2] =	stream.linear.scatter [tilespmem:s5], [sflag:$0x3], $0x3000, $0x38;
	[tilespmem:$0x7000] =	vst v63  }
0x7e: {  	_ =	swait.ge [sflag:s4], $0x3000  }
0x7f: {  	[sflag:s4] =	ssyncset.done $0x0  }
0x80: {  	[sflag:s4] =	ssyncadd.s32 $0xFFFFD000  }
0x81: {  	[tilespmem:s5], [sflag:$0x1] =	stream.indirect.gather [hbm4b:s3+s7], $0x80, s26, s7, $0xb8;
	[tilespmem:$0x7000] =	vst v63  }
0x82: {  	_ =	swait.ge [sflag:s9], $0x3000  }
0x83: {  	[sflag:s9] =	ssyncset.done $0x0  }
0x84: {  	s0 =	rddreg [dreg:$0xd];
	[sflag:s9] =	ssyncadd.s32 $0xFFFFD000  }
0x85: {  	[hbm4b:s0+s2] =	stream.linear.scatter [tilespmem:s8], [sflag:$0x3], $0x3000, $0x38;
	[tilespmem:$0x7000] =	vst v63  }
0x86: {  	_ =	swait.ge [sflag:s4], $0x3000  }
0x87: {  	[sflag:s4] =	ssyncset.done $0x0  }
0x88: {  	[sflag:s4] =	ssyncadd.s32 $0xFFFFD000  }
0x89: {  	[tilespmem:s8], [sflag:$0x2] =	stream.indirect.gather [hbm4b:s3+s7], $0x80, s25, s7, $0xb8;
	[tilespmem:$0x7000] =	vst v63  }
0x8a: {  	_ =	swait.ge [sflag:s6], $0x3000  }
0x8b: {  	[sflag:s6] =	ssyncset.done $0x0  }
0x8c: {  	s0 =	rddreg [dreg:$0xe];
	[sflag:s6] =	ssyncadd.s32 $0xFFFFD000  }
0x8d: {  	[hbm4b:s0+s2] =	stream.linear.scatter [tilespmem:s5], [sflag:$0x3], $0x3000, $0x38;
	[tilespmem:$0x7000] =	vst v63  }
0x8e: {  	_ =	swait.ge [sflag:s4], $0x3000  }
0x8f: {  	[sflag:s4] =	ssyncset.done $0x0  }
0x90: {  	[sflag:s4] =	ssyncadd.s32 $0xFFFFD000  }
0x91: {  	[tilespmem:s5], [sflag:$0x1] =	stream.indirect.gather [hbm4b:s3+s7], $0x80, s24, s7, $0xb8;
	[tilespmem:$0x7000] =	vst v63  }
0x92: {  	_ =	swait.ge [sflag:s9], $0x3000  }
0x93: {  	[sflag:s9] =	ssyncset.done $0x0  }
0x94: {  	s0 =	rddreg [dreg:$0xf];
	[sflag:s9] =	ssyncadd.s32 $0xFFFFD000  }
0x95: {  	[hbm4b:s0+s2] =	stream.linear.scatter [tilespmem:s8], [sflag:$0x3], $0x3000, $0x38;
	[tilespmem:$0x7000] =	vst v63  }
0x96: {  	_ =	swait.ge [sflag:s4], $0x3000  }
0x97: {  	[sflag:s4] =	ssyncset.done $0x0  }
0x98: {  	[sflag:s4] =	ssyncadd.s32 $0xFFFFD000  }
0x99: {  	[tilespmem:s8], [sflag:$0x2] =	stream.indirect.gather [hbm4b:s3+s7], $0x80, s23, s7, $0xb8;
	[tilespmem:$0x7000] =	vst v63  }
0x9a: {  	_ =	swait.ge [sflag:s6], $0x3000  }
0x9b: {  	[sflag:s6] =	ssyncset.done $0x0  }
0x9c: {  	s0 =	rddreg [dreg:$0x10];
	[sflag:s6] =	ssyncadd.s32 $0xFFFFD000  }
0x9d: {  	[hbm4b:s0+s2] =	stream.linear.scatter [tilespmem:s5], [sflag:$0x3], $0x3000, $0x38;
	[tilespmem:$0x7000] =	vst v63  }
0x9e: {  	_ =	swait.ge [sflag:s4], $0x3000  }
0x9f: {  	[sflag:s4] =	ssyncset.done $0x0  }
0xa0: {  	[sflag:s4] =	ssyncadd.s32 $0xFFFFD000  }
0xa1: {  	[tilespmem:s5], [sflag:$0x1] =	stream.indirect.gather [hbm4b:s3+s7], $0x80, s22, s7, $0xb8;
	[tilespmem:$0x7000] =	vst v63  }
0xa2: {  	_ =	swait.ge [sflag:s9], $0x3000  }
0xa3: {  	[sflag:s9] =	ssyncset.done $0x0  }
0xa4: {  	s0 =	rddreg [dreg:$0x11];
	[sflag:s9] =	ssyncadd.s32 $0xFFFFD000  }
0xa5: {  	[hbm4b:s0+s2] =	stream.linear.scatter [tilespmem:s8], [sflag:$0x3], $0x3000, $0x38;
	[tilespmem:$0x7000] =	vst v63  }
0xa6: {  	_ =	swait.ge [sflag:s4], $0x3000  }
0xa7: {  	[sflag:s4] =	ssyncset.done $0x0  }
0xa8: {  	[sflag:s4] =	ssyncadd.s32 $0xFFFFD000  }
0xa9: {  	[tilespmem:s8], [sflag:$0x2] =	stream.indirect.gather [hbm4b:s3+s7], $0x80, s21, s7, $0xb8;
	[tilespmem:$0x7000] =	vst v63  }
0xaa: {  	_ =	swait.ge [sflag:s6], $0x3000  }
0xab: {  	[sflag:s6] =	ssyncset.done $0x0  }
0xac: {  	s0 =	rddreg [dreg:$0x12];
	[sflag:s6] =	ssyncadd.s32 $0xFFFFD000  }
0xad: {  	[hbm4b:s0+s2] =	stream.linear.scatter [tilespmem:s5], [sflag:$0x3], $0x3000, $0x38;
	[tilespmem:$0x7000] =	vst v63  }
0xae: {  	_ =	swait.ge [sflag:s4], $0x3000  }
0xaf: {  	[sflag:s4] =	ssyncset.done $0x0  }
0xb0: {  	[sflag:s4] =	ssyncadd.s32 $0xFFFFD000  }
0xb1: {  	[tilespmem:s5], [sflag:$0x1] =	stream.indirect.gather [hbm4b:s3+s7], $0x80, s20, s7, $0xb8;
	[tilespmem:$0x7000] =	vst v63  }
0xb2: {  	_ =	swait.ge [sflag:s9], $0x3000  }
0xb3: {  	[sflag:s9] =	ssyncset.done $0x0  }
0xb4: {  	s0 =	rddreg [dreg:$0x13];
	[sflag:s9] =	ssyncadd.s32 $0xFFFFD000  }
0xb5: {  	[hbm4b:s0+s2] =	stream.linear.scatter [tilespmem:s8], [sflag:$0x3], $0x3000, $0x38;
	[tilespmem:$0x7000] =	vst v63  }
0xb6: {  	_ =	swait.ge [sflag:s4], $0x3000  }
0xb7: {  	[sflag:s4] =	ssyncset.done $0x0  }
0xb8: {  	[sflag:s4] =	ssyncadd.s32 $0xFFFFD000  }
0xb9: {  	[tilespmem:s8], [sflag:$0x2] =	stream.indirect.gather [hbm4b:s3+s7], $0x80, s19, s7, $0xb8;
	[tilespmem:$0x7000] =	vst v63  }
0xba: {  	_ =	swait.ge [sflag:s6], $0x3000  }
0xbb: {  	[sflag:s6] =	ssyncset.done $0x0  }
0xbc: {  	s0 =	rddreg [dreg:$0x14];
	[sflag:s6] =	ssyncadd.s32 $0xFFFFD000  }
0xbd: {  	[hbm4b:s0+s2] =	stream.linear.scatter [tilespmem:s5], [sflag:$0x3], $0x3000, $0x38;
	[tilespmem:$0x7000] =	vst v63  }
0xbe: {  	_ =	swait.ge [sflag:s4], $0x3000  }
0xbf: {  	[sflag:s4] =	ssyncset.done $0x0  }
0xc0: {  	[sflag:s4] =	ssyncadd.s32 $0xFFFFD000  }
0xc1: {  	[tilespmem:s5], [sflag:$0x1] =	stream.indirect.gather [hbm4b:s3+s7], $0x80, s18, s7, $0xb8;
	[tilespmem:$0x7000] =	vst v63  }
0xc2: {  	_ =	swait.ge [sflag:s9], $0x3000  }
0xc3: {  	[sflag:s9] =	ssyncset.done $0x0  }
0xc4: {  	s0 =	rddreg [dreg:$0x15];
	[sflag:s9] =	ssyncadd.s32 $0xFFFFD000  }
0xc5: {  	[hbm4b:s0+s2] =	stream.linear.scatter [tilespmem:s8], [sflag:$0x3], $0x3000, $0x38;
	[tilespmem:$0x7000] =	vst v63  }
0xc6: {  	_ =	swait.ge [sflag:s4], $0x3000  }
0xc7: {  	[sflag:s4] =	ssyncset.done $0x0  }
0xc8: {  	[sflag:s4] =	ssyncadd.s32 $0xFFFFD000  }
0xc9: {  	[tilespmem:s8], [sflag:$0x2] =	stream.indirect.gather [hbm4b:s3+s7], $0x80, s17, s7, $0xb8;
	[tilespmem:$0x7000] =	vst v63  }
0xca: {  	_ =	swait.ge [sflag:s6], $0x3000  }
0xcb: {  	[sflag:s6] =	ssyncset.done $0x0  }
0xcc: {  	s0 =	rddreg [dreg:$0x16];
	[sflag:s6] =	ssyncadd.s32 $0xFFFFD000  }
0xcd: {  	[hbm4b:s0+s2] =	stream.linear.scatter [tilespmem:s5], [sflag:$0x3], $0x3000, $0x38;
	[tilespmem:$0x7000] =	vst v63  }
0xce: {  	_ =	swait.ge [sflag:s4], $0x3000  }
0xcf: {  	[sflag:s4] =	ssyncset.done $0x0  }
0xd0: {  	[sflag:s4] =	ssyncadd.s32 $0xFFFFD000  }
0xd1: {  	[tilespmem:s5], [sflag:$0x1] =	stream.indirect.gather [hbm4b:s3+s7], $0x80, s16, s7, $0xb8;
	[tilespmem:$0x7000] =	vst v63  }
0xd2: {  	_ =	swait.ge [sflag:s9], $0x3000  }
0xd3: {  	[sflag:s9] =	ssyncset.done $0x0  }
0xd4: {  	s0 =	rddreg [dreg:$0x17];
	[sflag:s9] =	ssyncadd.s32 $0xFFFFD000  }
0xd5: {  	[hbm4b:s0+s2] =	stream.linear.scatter [tilespmem:s8], [sflag:$0x3], $0x3000, $0x38;
	[tilespmem:$0x7000] =	vst v63  }
0xd6: {  	_ =	swait.ge [sflag:s4], $0x3000  }
0xd7: {  	[sflag:s4] =	ssyncset.done $0x0  }
0xd8: {  	[sflag:s4] =	ssyncadd.s32 $0xFFFFD000  }
0xd9: {  	[tilespmem:s8], [sflag:$0x2] =	stream.indirect.gather [hbm4b:s3+s7], $0x80, s15, s7, $0xb8;
	[tilespmem:$0x7000] =	vst v63  }
0xda: {  	_ =	swait.ge [sflag:s6], $0x3000  }
0xdb: {  	[sflag:s6] =	ssyncset.done $0x0  }
0xdc: {  	s0 =	rddreg [dreg:$0x18];
	[sflag:s6] =	ssyncadd.s32 $0xFFFFD000  }
0xdd: {  	[hbm4b:s0+s2] =	stream.linear.scatter [tilespmem:s5], [sflag:$0x3], $0x3000, $0x38;
	[tilespmem:$0x7000] =	vst v63  }
0xde: {  	_ =	swait.ge [sflag:s4], $0x3000  }
0xdf: {  	[sflag:s4] =	ssyncset.done $0x0  }
0xe0: {  	[sflag:s4] =	ssyncadd.s32 $0xFFFFD000  }
0xe1: {  	[tilespmem:s5], [sflag:$0x1] =	stream.indirect.gather [hbm4b:s3+s7], $0x80, s14, s7, $0xb8;
	[tilespmem:$0x7000] =	vst v63  }
0xe2: {  	_ =	swait.ge [sflag:s9], $0x3000  }
0xe3: {  	[sflag:s9] =	ssyncset.done $0x0  }
0xe4: {  	s0 =	rddreg [dreg:$0x19];
	[sflag:s9] =	ssyncadd.s32 $0xFFFFD000  }
0xe5: {  	[hbm4b:s0+s2] =	stream.linear.scatter [tilespmem:s8], [sflag:$0x3], $0x3000, $0x38;
	[tilespmem:$0x7000] =	vst v63  }
0xe6: {  	_ =	swait.ge [sflag:s4], $0x3000  }
0xe7: {  	[sflag:s4] =	ssyncset.done $0x0  }
0xe8: {  	[sflag:s4] =	ssyncadd.s32 $0xFFFFD000  }
0xe9: {  	[tilespmem:s8], [sflag:$0x2] =	stream.indirect.gather [hbm4b:s3+s7], $0x80, s13, s7, $0xb8;
	[tilespmem:$0x7000] =	vst v63  }
0xea: {  	_ =	swait.ge [sflag:s6], $0x3000  }
0xeb: {  	[sflag:s6] =	ssyncset.done $0x0  }
0xec: {  	s0 =	rddreg [dreg:$0x1a];
	[sflag:s6] =	ssyncadd.s32 $0xFFFFD000  }
0xed: {  	[hbm4b:s0+s2] =	stream.linear.scatter [tilespmem:s5], [sflag:$0x3], $0x3000, $0x38;
	[tilespmem:$0x7000] =	vst v63  }
0xee: {  	_ =	swait.ge [sflag:s4], $0x3000  }
0xef: {  	[sflag:s4] =	ssyncset.done $0x0  }
0xf0: {  	[sflag:s4] =	ssyncadd.s32 $0xFFFFD000  }
0xf1: {  	[tilespmem:s5], [sflag:$0x1] =	stream.indirect.gather [hbm4b:s3+s7], $0x80, s12, s7, $0xb8;
	[tilespmem:$0x7000] =	vst v63  }
0xf2: {  	_ =	swait.ge [sflag:s9], $0x3000  }
0xf3: {  	[sflag:s9] =	ssyncset.done $0x0  }
0xf4: {  	s0 =	rddreg [dreg:$0x1b];
	[sflag:s9] =	ssyncadd.s32 $0xFFFFD000  }
0xf5: {  	[hbm4b:s0+s2] =	stream.linear.scatter [tilespmem:s8], [sflag:$0x3], $0x3000, $0x38;
	[tilespmem:$0x7000] =	vst v63  }
0xf6: {  	_ =	swait.ge [sflag:s4], $0x3000  }
0xf7: {  	[sflag:s4] =	ssyncset.done $0x0  }
0xf8: {  	[sflag:s4] =	ssyncadd.s32 $0xFFFFD000  }
0xf9: {  	[tilespmem:s8], [sflag:$0x2] =	stream.indirect.gather [hbm4b:s3+s7], $0x80, s11, s7, $0xb8;
	[tilespmem:$0x7000] =	vst v63  }
0xfa: {  	_ =	swait.ge [sflag:s6], $0x3000  }
0xfb: {  	[sflag:s6] =	ssyncset.done $0x0  }
0xfc: {  	s0 =	rddreg [dreg:$0x1c];
	[sflag:s6] =	ssyncadd.s32 $0xFFFFD000  }
0xfd: {  	[hbm4b:s0+s2] =	stream.linear.scatter [tilespmem:s5], [sflag:$0x3], $0x3000, $0x38;
	[tilespmem:$0x7000] =	vst v63  }
0xfe: {  	_ =	swait.ge [sflag:s4], $0x3000  }
0xff: {  	[sflag:s4] =	ssyncset.done $0x0  }
0x100: {  	[sflag:s4] =	ssyncadd.s32 $0xFFFFD000  }
0x101: {  	[tilespmem:s5], [sflag:$0x1] =	stream.indirect.gather [hbm4b:s3+s7], $0x80, s10, s7, $0xb8;
	[tilespmem:$0x7000] =	vst v63  }
0x102: {  	_ =	swait.ge [sflag:s9], $0x3000  }
0x103: {  	[sflag:s9] =	ssyncset.done $0x0  }
0x104: {  	s0 =	rddreg [dreg:$0x1d];
	[sflag:s9] =	ssyncadd.s32 $0xFFFFD000  }
0x105: {  	[hbm4b:s0+s2] =	stream.linear.scatter [tilespmem:s8], [sflag:$0x3], $0x3000, $0x38;
	[tilespmem:$0x7000] =	vst v63  }
0x106: {  	_ =	swait.ge [sflag:s4], $0x3000  }
0x107: {  	[sflag:s4] =	ssyncset.done $0x0  }
0x108: {  	[sflag:s4] =	ssyncadd.s32 $0xFFFFD000  }
0x109: {  	p1 =	sne.s32 s1, $0x1;
	_ =	swait.ge [sflag:s6], $0x3000  }
.Ltmp1:
0x10a: {  	[sflag:s6] =	ssyncset.done $0x0;
	(pc) =	sbr.rel @!p1 .LBB2_3-.Ltmp1, $4  }
0x10b: {  	s0 =	rddreg [dreg:$0x1e];
	[sflag:s6] =	ssyncadd.s32 $0xFFFFD000  }
0x10c: {  	[hbm4b:s0+s2] =	stream.linear.scatter [tilespmem:s5], [sflag:$0x3], $0x3000, $0x38;
	[tilespmem:$0x7000] =	vst v63  }
0x10d: {  	s1 =	sadd.s32 $0xFFFFFFFF, s1;
	_ =	swait.ge [sflag:s4], $0x3000  }
0x10e: {  	p0 =	por $0x1, $0x1;
	s0 =	rddreg [dreg:$0x3];
	[sflag:s4] =	ssyncset.done $0x0  }
.LBB2_2:
0x10f: {  	[sflag:s4] =	ssyncadd.s32 $0xFFFFD000  }
0x110: {  	[tilespmem:s2], [sflag:$0x3] =	stream.linear.gather [hbm4b:s0+s2], $0xD80, $0x38;
	[tilespmem:$0x7000] =	vst v63  }
0x111: {  	_ =	swait.ge [sflag:s4], $0xD80  }
0x112: {  	[sflag:s4] =	ssyncset.done $0x0  }
0x113: {  	[sflag:s4] =	ssyncadd.s32 $0xFFFFF280  }
0x114: {  	[tilespmem:s5], [sflag:$0x1] =	stream.indirect.gather [hbm4b:s3+s7], $0x80, s2, s7, $0xb8;
	[tilespmem:$0x7000] =	vst v63  }
0x115: {  	s0 =	rddreg [dreg:$0x1f]  }
0x116: {  	[tilespmem:s8], [sflag:$0x2] =	stream.indirect.gather [hbm4b:s3+s7], $0x80, s0, s7, $0xb8;
	[tilespmem:$0x7000] =	vst v63  }
0x117: {  	_ =	swait.ge [sflag:s6], $0x3000  }
0x118: {  	[sflag:s6] =	ssyncset.done $0x0  }
0x119: {  	s0 =	rddreg [dreg:$0x4];
	[sflag:s6] =	ssyncadd.s32 $0xFFFFD000  }
0x11a: {  	[hbm4b:s0+s2] =	stream.linear.scatter [tilespmem:s5], [sflag:$0x3], $0x3000, $0x38;
	[tilespmem:$0x7000] =	vst v63  }
0x11b: {  	_ =	swait.ge [sflag:s4], $0x3000  }
0x11c: {  	s0 =	sld [smem:$0x7FA]  }
0x11d: {  	[sflag:s4] =	ssyncset.done $0x0  }
0x11e: {  	[sflag:s4] =	ssyncadd.s32 $0xFFFFD000  }
0x11f: {  	[tilespmem:s5], [sflag:$0x1] =	stream.indirect.gather [hbm4b:s3+s7], $0x80, s0, s7, $0xb8;
	[tilespmem:$0x7000] =	vst v63  }
0x120: {  	_ =	swait.ge [sflag:s9], $0x3000  }
0x121: {  	[sflag:s9] =	ssyncset.done $0x0  }
0x122: {  	s0 =	rddreg [dreg:$0x5];
	[sflag:s9] =	ssyncadd.s32 $0xFFFFD000  }
0x123: {  	[hbm4b:s0+s2] =	stream.linear.scatter [tilespmem:s8], [sflag:$0x3], $0x3000, $0x38;
	[tilespmem:$0x7000] =	vst v63  }
0x124: {  	_ =	swait.ge [sflag:s4], $0x3000  }
0x125: {  	s0 =	sld [smem:$0x7FB]  }
0x126: {  	[sflag:s4] =	ssyncset.done $0x0  }
0x127: {  	[sflag:s4] =	ssyncadd.s32 $0xFFFFD000  }
0x128: {  	[tilespmem:s8], [sflag:$0x2] =	stream.indirect.gather [hbm4b:s3+s7], $0x80, s0, s7, $0xb8;
	[tilespmem:$0x7000] =	vst v63  }
0x129: {  	_ =	swait.ge [sflag:s6], $0x3000  }
0x12a: {  	[sflag:s6] =	ssyncset.done $0x0  }
0x12b: {  	s0 =	rddreg [dreg:$0x6];
	[sflag:s6] =	ssyncadd.s32 $0xFFFFD000  }
0x12c: {  	[hbm4b:s0+s2] =	stream.linear.scatter [tilespmem:s5], [sflag:$0x3], $0x3000, $0x38;
	[tilespmem:$0x7000] =	vst v63  }
0x12d: {  	_ =	swait.ge [sflag:s4], $0x3000  }
0x12e: {  	s0 =	sld [smem:$0x7FC]  }
0x12f: {  	[sflag:s4] =	ssyncset.done $0x0  }
0x130: {  	[sflag:s4] =	ssyncadd.s32 $0xFFFFD000  }
0x131: {  	[tilespmem:s5], [sflag:$0x1] =	stream.indirect.gather [hbm4b:s3+s7], $0x80, s0, s7, $0xb8;
	[tilespmem:$0x7000] =	vst v63  }
0x132: {  	_ =	swait.ge [sflag:s9], $0x3000  }
0x133: {  	[sflag:s9] =	ssyncset.done $0x0  }
0x134: {  	s0 =	rddreg [dreg:$0x7];
	[sflag:s9] =	ssyncadd.s32 $0xFFFFD000  }
0x135: {  	[hbm4b:s0+s2] =	stream.linear.scatter [tilespmem:s8], [sflag:$0x3], $0x3000, $0x38;
	[tilespmem:$0x7000] =	vst v63  }
0x136: {  	_ =	swait.ge [sflag:s4], $0x3000  }
0x137: {  	s0 =	sld [smem:$0x7FD]  }
0x138: {  	[sflag:s4] =	ssyncset.done $0x0  }
0x139: {  	[sflag:s4] =	ssyncadd.s32 $0xFFFFD000  }
0x13a: {  	[tilespmem:s8], [sflag:$0x2] =	stream.indirect.gather [hbm4b:s3+s7], $0x80, s0, s7, $0xb8;
	[tilespmem:$0x7000] =	vst v63  }
0x13b: {  	_ =	swait.ge [sflag:s6], $0x3000  }
0x13c: {  	[sflag:s6] =	ssyncset.done $0x0  }
0x13d: {  	s0 =	rddreg [dreg:$0x8];
	[sflag:s6] =	ssyncadd.s32 $0xFFFFD000  }
0x13e: {  	[hbm4b:s0+s2] =	stream.linear.scatter [tilespmem:s5], [sflag:$0x3], $0x3000, $0x38;
	[tilespmem:$0x7000] =	vst v63  }
0x13f: {  	_ =	swait.ge [sflag:s4], $0x3000  }
0x140: {  	[sflag:s4] =	ssyncset.done $0x0  }
0x141: {  	[sflag:s4] =	ssyncadd.s32 $0xFFFFD000  }
0x142: {  	[tilespmem:s5], [sflag:$0x1] =	stream.indirect.gather [hbm4b:s3+s7], $0x80, s31, s7, $0xb8;
	[tilespmem:$0x7000] =	vst v63  }
0x143: {  	_ =	swait.ge [sflag:s9], $0x3000  }
0x144: {  	[sflag:s9] =	ssyncset.done $0x0  }
0x145: {  	s0 =	rddreg [dreg:$0x9];
	[sflag:s9] =	ssyncadd.s32 $0xFFFFD000  }
0x146: {  	[hbm4b:s0+s2] =	stream.linear.scatter [tilespmem:s8], [sflag:$0x3], $0x3000, $0x38;
	[tilespmem:$0x7000] =	vst v63  }
0x147: {  	_ =	swait.ge [sflag:s4], $0x3000  }
0x148: {  	[sflag:s4] =	ssyncset.done $0x0  }
0x149: {  	[sflag:s4] =	ssyncadd.s32 $0xFFFFD000  }
0x14a: {  	[tilespmem:s8], [sflag:$0x2] =	stream.indirect.gather [hbm4b:s3+s7], $0x80, s30, s7, $0xb8;
	[tilespmem:$0x7000] =	vst v63  }
0x14b: {  	_ =	swait.ge [sflag:s6], $0x3000  }
0x14c: {  	[sflag:s6] =	ssyncset.done $0x0  }
0x14d: {  	s0 =	rddreg [dreg:$0xa];
	[sflag:s6] =	ssyncadd.s32 $0xFFFFD000  }
0x14e: {  	[hbm4b:s0+s2] =	stream.linear.scatter [tilespmem:s5], [sflag:$0x3], $0x3000, $0x38;
	[tilespmem:$0x7000] =	vst v63  }
0x14f: {  	_ =	swait.ge [sflag:s4], $0x3000  }
0x150: {  	[sflag:s4] =	ssyncset.done $0x0  }
0x151: {  	[sflag:s4] =	ssyncadd.s32 $0xFFFFD000  }
0x152: {  	[tilespmem:s5], [sflag:$0x1] =	stream.indirect.gather [hbm4b:s3+s7], $0x80, s29, s7, $0xb8;
	[tilespmem:$0x7000] =	vst v63  }
0x153: {  	_ =	swait.ge [sflag:s9], $0x3000  }
0x154: {  	[sflag:s9] =	ssyncset.done $0x0  }
0x155: {  	s0 =	rddreg [dreg:$0xb];
	[sflag:s9] =	ssyncadd.s32 $0xFFFFD000  }
0x156: {  	[hbm4b:s0+s2] =	stream.linear.scatter [tilespmem:s8], [sflag:$0x3], $0x3000, $0x38;
	[tilespmem:$0x7000] =	vst v63  }
0x157: {  	_ =	swait.ge [sflag:s4], $0x3000  }
0x158: {  	[sflag:s4] =	ssyncset.done $0x0  }
0x159: {  	[sflag:s4] =	ssyncadd.s32 $0xFFFFD000  }
0x15a: {  	[tilespmem:s8], [sflag:$0x2] =	stream.indirect.gather [hbm4b:s3+s7], $0x80, s28, s7, $0xb8;
	[tilespmem:$0x7000] =	vst v63  }
0x15b: {  	_ =	swait.ge [sflag:s6], $0x3000  }
0x15c: {  	[sflag:s6] =	ssyncset.done $0x0  }
0x15d: {  	s0 =	rddreg [dreg:$0xc];
	[sflag:s6] =	ssyncadd.s32 $0xFFFFD000  }
0x15e: {  	[hbm4b:s0+s2] =	stream.linear.scatter [tilespmem:s5], [sflag:$0x3], $0x3000, $0x38;
	[tilespmem:$0x7000] =	vst v63  }
0x15f: {  	_ =	swait.ge [sflag:s4], $0x3000  }
0x160: {  	[sflag:s4] =	ssyncset.done $0x0  }
0x161: {  	[sflag:s4] =	ssyncadd.s32 $0xFFFFD000  }
0x162: {  	[tilespmem:s5], [sflag:$0x1] =	stream.indirect.gather [hbm4b:s3+s7], $0x80, s26, s7, $0xb8;
	[tilespmem:$0x7000] =	vst v63  }
0x163: {  	_ =	swait.ge [sflag:s9], $0x3000  }
0x164: {  	[sflag:s9] =	ssyncset.done $0x0  }
0x165: {  	s0 =	rddreg [dreg:$0xd];
	[sflag:s9] =	ssyncadd.s32 $0xFFFFD000  }
0x166: {  	[hbm4b:s0+s2] =	stream.linear.scatter [tilespmem:s8], [sflag:$0x3], $0x3000, $0x38;
	[tilespmem:$0x7000] =	vst v63  }
0x167: {  	_ =	swait.ge [sflag:s4], $0x3000  }
0x168: {  	[sflag:s4] =	ssyncset.done $0x0  }
0x169: {  	[sflag:s4] =	ssyncadd.s32 $0xFFFFD000  }
0x16a: {  	[tilespmem:s8], [sflag:$0x2] =	stream.indirect.gather [hbm4b:s3+s7], $0x80, s25, s7, $0xb8;
	[tilespmem:$0x7000] =	vst v63  }
0x16b: {  	_ =	swait.ge [sflag:s6], $0x3000  }
0x16c: {  	[sflag:s6] =	ssyncset.done $0x0  }
0x16d: {  	s0 =	rddreg [dreg:$0xe];
	[sflag:s6] =	ssyncadd.s32 $0xFFFFD000  }
0x16e: {  	[hbm4b:s0+s2] =	stream.linear.scatter [tilespmem:s5], [sflag:$0x3], $0x3000, $0x38;
	[tilespmem:$0x7000] =	vst v63  }
0x16f: {  	_ =	swait.ge [sflag:s4], $0x3000  }
0x170: {  	[sflag:s4] =	ssyncset.done $0x0  }
0x171: {  	[sflag:s4] =	ssyncadd.s32 $0xFFFFD000  }
0x172: {  	[tilespmem:s5], [sflag:$0x1] =	stream.indirect.gather [hbm4b:s3+s7], $0x80, s24, s7, $0xb8;
	[tilespmem:$0x7000] =	vst v63  }
0x173: {  	_ =	swait.ge [sflag:s9], $0x3000  }
0x174: {  	[sflag:s9] =	ssyncset.done $0x0  }
0x175: {  	s0 =	rddreg [dreg:$0xf];
	[sflag:s9] =	ssyncadd.s32 $0xFFFFD000  }
0x176: {  	[hbm4b:s0+s2] =	stream.linear.scatter [tilespmem:s8], [sflag:$0x3], $0x3000, $0x38;
	[tilespmem:$0x7000] =	vst v63  }
0x177: {  	_ =	swait.ge [sflag:s4], $0x3000  }
0x178: {  	[sflag:s4] =	ssyncset.done $0x0  }
0x179: {  	[sflag:s4] =	ssyncadd.s32 $0xFFFFD000  }
0x17a: {  	[tilespmem:s8], [sflag:$0x2] =	stream.indirect.gather [hbm4b:s3+s7], $0x80, s23, s7, $0xb8;
	[tilespmem:$0x7000] =	vst v63  }
0x17b: {  	_ =	swait.ge [sflag:s6], $0x3000  }
0x17c: {  	[sflag:s6] =	ssyncset.done $0x0  }
0x17d: {  	s0 =	rddreg [dreg:$0x10];
	[sflag:s6] =	ssyncadd.s32 $0xFFFFD000  }
0x17e: {  	[hbm4b:s0+s2] =	stream.linear.scatter [tilespmem:s5], [sflag:$0x3], $0x3000, $0x38;
	[tilespmem:$0x7000] =	vst v63  }
0x17f: {  	_ =	swait.ge [sflag:s4], $0x3000  }
0x180: {  	[sflag:s4] =	ssyncset.done $0x0  }
0x181: {  	[sflag:s4] =	ssyncadd.s32 $0xFFFFD000  }
0x182: {  	[tilespmem:s5], [sflag:$0x1] =	stream.indirect.gather [hbm4b:s3+s7], $0x80, s22, s7, $0xb8;
	[tilespmem:$0x7000] =	vst v63  }
0x183: {  	_ =	swait.ge [sflag:s9], $0x3000  }
0x184: {  	[sflag:s9] =	ssyncset.done $0x0  }
0x185: {  	s0 =	rddreg [dreg:$0x11];
	[sflag:s9] =	ssyncadd.s32 $0xFFFFD000  }
0x186: {  	[hbm4b:s0+s2] =	stream.linear.scatter [tilespmem:s8], [sflag:$0x3], $0x3000, $0x38;
	[tilespmem:$0x7000] =	vst v63  }
0x187: {  	_ =	swait.ge [sflag:s4], $0x3000  }
0x188: {  	[sflag:s4] =	ssyncset.done $0x0  }
0x189: {  	[sflag:s4] =	ssyncadd.s32 $0xFFFFD000  }
0x18a: {  	[tilespmem:s8], [sflag:$0x2] =	stream.indirect.gather [hbm4b:s3+s7], $0x80, s21, s7, $0xb8;
	[tilespmem:$0x7000] =	vst v63  }
0x18b: {  	_ =	swait.ge [sflag:s6], $0x3000  }
0x18c: {  	[sflag:s6] =	ssyncset.done $0x0  }
0x18d: {  	s0 =	rddreg [dreg:$0x12];
	[sflag:s6] =	ssyncadd.s32 $0xFFFFD000  }
0x18e: {  	[hbm4b:s0+s2] =	stream.linear.scatter [tilespmem:s5], [sflag:$0x3], $0x3000, $0x38;
	[tilespmem:$0x7000] =	vst v63  }
0x18f: {  	_ =	swait.ge [sflag:s4], $0x3000  }
0x190: {  	[sflag:s4] =	ssyncset.done $0x0  }
0x191: {  	[sflag:s4] =	ssyncadd.s32 $0xFFFFD000  }
0x192: {  	[tilespmem:s5], [sflag:$0x1] =	stream.indirect.gather [hbm4b:s3+s7], $0x80, s20, s7, $0xb8;
	[tilespmem:$0x7000] =	vst v63  }
0x193: {  	_ =	swait.ge [sflag:s9], $0x3000  }
0x194: {  	[sflag:s9] =	ssyncset.done $0x0  }
0x195: {  	s0 =	rddreg [dreg:$0x13];
	[sflag:s9] =	ssyncadd.s32 $0xFFFFD000  }
0x196: {  	[hbm4b:s0+s2] =	stream.linear.scatter [tilespmem:s8], [sflag:$0x3], $0x3000, $0x38;
	[tilespmem:$0x7000] =	vst v63  }
0x197: {  	_ =	swait.ge [sflag:s4], $0x3000  }
0x198: {  	[sflag:s4] =	ssyncset.done $0x0  }
0x199: {  	[sflag:s4] =	ssyncadd.s32 $0xFFFFD000  }
0x19a: {  	[tilespmem:s8], [sflag:$0x2] =	stream.indirect.gather [hbm4b:s3+s7], $0x80, s19, s7, $0xb8;
	[tilespmem:$0x7000] =	vst v63  }
0x19b: {  	_ =	swait.ge [sflag:s6], $0x3000  }
0x19c: {  	[sflag:s6] =	ssyncset.done $0x0  }
0x19d: {  	s0 =	rddreg [dreg:$0x14];
	[sflag:s6] =	ssyncadd.s32 $0xFFFFD000  }
0x19e: {  	[hbm4b:s0+s2] =	stream.linear.scatter [tilespmem:s5], [sflag:$0x3], $0x3000, $0x38;
	[tilespmem:$0x7000] =	vst v63  }
0x19f: {  	_ =	swait.ge [sflag:s4], $0x3000  }
0x1a0: {  	[sflag:s4] =	ssyncset.done $0x0  }
0x1a1: {  	[sflag:s4] =	ssyncadd.s32 $0xFFFFD000  }
0x1a2: {  	[tilespmem:s5], [sflag:$0x1] =	stream.indirect.gather [hbm4b:s3+s7], $0x80, s18, s7, $0xb8;
	[tilespmem:$0x7000] =	vst v63  }
0x1a3: {  	_ =	swait.ge [sflag:s9], $0x3000  }
0x1a4: {  	[sflag:s9] =	ssyncset.done $0x0  }
0x1a5: {  	s0 =	rddreg [dreg:$0x15];
	[sflag:s9] =	ssyncadd.s32 $0xFFFFD000  }
0x1a6: {  	[hbm4b:s0+s2] =	stream.linear.scatter [tilespmem:s8], [sflag:$0x3], $0x3000, $0x38;
	[tilespmem:$0x7000] =	vst v63  }
0x1a7: {  	_ =	swait.ge [sflag:s4], $0x3000  }
0x1a8: {  	[sflag:s4] =	ssyncset.done $0x0  }
0x1a9: {  	[sflag:s4] =	ssyncadd.s32 $0xFFFFD000  }
0x1aa: {  	[tilespmem:s8], [sflag:$0x2] =	stream.indirect.gather [hbm4b:s3+s7], $0x80, s17, s7, $0xb8;
	[tilespmem:$0x7000] =	vst v63  }
0x1ab: {  	_ =	swait.ge [sflag:s6], $0x3000  }
0x1ac: {  	[sflag:s6] =	ssyncset.done $0x0  }
0x1ad: {  	s0 =	rddreg [dreg:$0x16];
	[sflag:s6] =	ssyncadd.s32 $0xFFFFD000  }
0x1ae: {  	[hbm4b:s0+s2] =	stream.linear.scatter [tilespmem:s5], [sflag:$0x3], $0x3000, $0x38;
	[tilespmem:$0x7000] =	vst v63  }
0x1af: {  	_ =	swait.ge [sflag:s4], $0x3000  }
0x1b0: {  	[sflag:s4] =	ssyncset.done $0x0  }
0x1b1: {  	[sflag:s4] =	ssyncadd.s32 $0xFFFFD000  }
0x1b2: {  	[tilespmem:s5], [sflag:$0x1] =	stream.indirect.gather [hbm4b:s3+s7], $0x80, s16, s7, $0xb8;
	[tilespmem:$0x7000] =	vst v63  }
0x1b3: {  	_ =	swait.ge [sflag:s9], $0x3000  }
0x1b4: {  	[sflag:s9] =	ssyncset.done $0x0  }
0x1b5: {  	s0 =	rddreg [dreg:$0x17];
	[sflag:s9] =	ssyncadd.s32 $0xFFFFD000  }
0x1b6: {  	[hbm4b:s0+s2] =	stream.linear.scatter [tilespmem:s8], [sflag:$0x3], $0x3000, $0x38;
	[tilespmem:$0x7000] =	vst v63  }
0x1b7: {  	_ =	swait.ge [sflag:s4], $0x3000  }
0x1b8: {  	[sflag:s4] =	ssyncset.done $0x0  }
0x1b9: {  	[sflag:s4] =	ssyncadd.s32 $0xFFFFD000  }
0x1ba: {  	[tilespmem:s8], [sflag:$0x2] =	stream.indirect.gather [hbm4b:s3+s7], $0x80, s15, s7, $0xb8;
	[tilespmem:$0x7000] =	vst v63  }
0x1bb: {  	_ =	swait.ge [sflag:s6], $0x3000  }
0x1bc: {  	[sflag:s6] =	ssyncset.done $0x0  }
0x1bd: {  	s0 =	rddreg [dreg:$0x18];
	[sflag:s6] =	ssyncadd.s32 $0xFFFFD000  }
0x1be: {  	[hbm4b:s0+s2] =	stream.linear.scatter [tilespmem:s5], [sflag:$0x3], $0x3000, $0x38;
	[tilespmem:$0x7000] =	vst v63  }
0x1bf: {  	_ =	swait.ge [sflag:s4], $0x3000  }
0x1c0: {  	[sflag:s4] =	ssyncset.done $0x0  }
0x1c1: {  	[sflag:s4] =	ssyncadd.s32 $0xFFFFD000  }
0x1c2: {  	[tilespmem:s5], [sflag:$0x1] =	stream.indirect.gather [hbm4b:s3+s7], $0x80, s14, s7, $0xb8;
	[tilespmem:$0x7000] =	vst v63  }
0x1c3: {  	_ =	swait.ge [sflag:s9], $0x3000  }
0x1c4: {  	[sflag:s9] =	ssyncset.done $0x0  }
0x1c5: {  	s0 =	rddreg [dreg:$0x19];
	[sflag:s9] =	ssyncadd.s32 $0xFFFFD000  }
0x1c6: {  	[hbm4b:s0+s2] =	stream.linear.scatter [tilespmem:s8], [sflag:$0x3], $0x3000, $0x38;
	[tilespmem:$0x7000] =	vst v63  }
0x1c7: {  	_ =	swait.ge [sflag:s4], $0x3000  }
0x1c8: {  	[sflag:s4] =	ssyncset.done $0x0  }
0x1c9: {  	[sflag:s4] =	ssyncadd.s32 $0xFFFFD000  }
0x1ca: {  	[tilespmem:s8], [sflag:$0x2] =	stream.indirect.gather [hbm4b:s3+s7], $0x80, s13, s7, $0xb8;
	[tilespmem:$0x7000] =	vst v63  }
0x1cb: {  	_ =	swait.ge [sflag:s6], $0x3000  }
0x1cc: {  	[sflag:s6] =	ssyncset.done $0x0  }
0x1cd: {  	s0 =	rddreg [dreg:$0x1a];
	[sflag:s6] =	ssyncadd.s32 $0xFFFFD000  }
0x1ce: {  	[hbm4b:s0+s2] =	stream.linear.scatter [tilespmem:s5], [sflag:$0x3], $0x3000, $0x38;
	[tilespmem:$0x7000] =	vst v63  }
0x1cf: {  	_ =	swait.ge [sflag:s4], $0x3000  }
0x1d0: {  	[sflag:s4] =	ssyncset.done $0x0  }
0x1d1: {  	[sflag:s4] =	ssyncadd.s32 $0xFFFFD000  }
0x1d2: {  	[tilespmem:s5], [sflag:$0x1] =	stream.indirect.gather [hbm4b:s3+s7], $0x80, s12, s7, $0xb8;
	[tilespmem:$0x7000] =	vst v63  }
0x1d3: {  	_ =	swait.ge [sflag:s9], $0x3000  }
0x1d4: {  	[sflag:s9] =	ssyncset.done $0x0  }
0x1d5: {  	s0 =	rddreg [dreg:$0x1b];
	[sflag:s9] =	ssyncadd.s32 $0xFFFFD000  }
0x1d6: {  	[hbm4b:s0+s2] =	stream.linear.scatter [tilespmem:s8], [sflag:$0x3], $0x3000, $0x38;
	[tilespmem:$0x7000] =	vst v63  }
0x1d7: {  	_ =	swait.ge [sflag:s4], $0x3000  }
0x1d8: {  	[sflag:s4] =	ssyncset.done $0x0  }
0x1d9: {  	[sflag:s4] =	ssyncadd.s32 $0xFFFFD000  }
0x1da: {  	[tilespmem:s8], [sflag:$0x2] =	stream.indirect.gather [hbm4b:s3+s7], $0x80, s11, s7, $0xb8;
	[tilespmem:$0x7000] =	vst v63  }
0x1db: {  	_ =	swait.ge [sflag:s6], $0x3000  }
0x1dc: {  	[sflag:s6] =	ssyncset.done $0x0  }
0x1dd: {  	s0 =	rddreg [dreg:$0x1c];
	[sflag:s6] =	ssyncadd.s32 $0xFFFFD000  }
0x1de: {  	[hbm4b:s0+s2] =	stream.linear.scatter [tilespmem:s5], [sflag:$0x3], $0x3000, $0x38;
	[tilespmem:$0x7000] =	vst v63  }
0x1df: {  	_ =	swait.ge [sflag:s4], $0x3000  }
0x1e0: {  	[sflag:s4] =	ssyncset.done $0x0  }
0x1e1: {  	[sflag:s4] =	ssyncadd.s32 $0xFFFFD000  }
0x1e2: {  	[tilespmem:s5], [sflag:$0x1] =	stream.indirect.gather [hbm4b:s3+s7], $0x80, s10, s7, $0xb8;
	[tilespmem:$0x7000] =	vst v63  }
0x1e3: {  	_ =	swait.ge [sflag:s9], $0x3000  }
0x1e4: {  	[sflag:s9] =	ssyncset.done $0x0  }
0x1e5: {  	s0 =	rddreg [dreg:$0x1d];
	[sflag:s9] =	ssyncadd.s32 $0xFFFFD000  }
0x1e6: {  	[hbm4b:s0+s2] =	stream.linear.scatter [tilespmem:s8], [sflag:$0x3], $0x3000, $0x38;
	[tilespmem:$0x7000] =	vst v63  }
0x1e7: {  	_ =	swait.ge [sflag:s4], $0x3000  }
0x1e8: {  	[sflag:s4] =	ssyncset.done $0x0  }
0x1e9: {  	[sflag:s4] =	ssyncadd.s32 $0xFFFFD000  }
0x1ea: {  	p1 =	sne.s32 s1, $0x1;
	_ =	swait.ge [sflag:s6], $0x3000  }
.Ltmp2:
0x1eb: {  	[sflag:s6] =	ssyncset.done $0x0;
	(pc) =	sbr.rel @p1 .LBB2_2-.Ltmp2, $4  }
0x1ec: {  	s0 =	rddreg [dreg:$0x1e];
	[sflag:s6] =	ssyncadd.s32 $0xFFFFD000  }
0x1ed: {  	[hbm4b:s0+s2] =	stream.linear.scatter [tilespmem:s5], [sflag:$0x3], $0x3000, $0x38;
	[tilespmem:$0x7000] =	vst v63  }
0x1ee: {  	_ =	swait.ge [sflag:s4], $0x3000  }
0x1ef: {  	s1 =	sadd.s32 $0xFFFFFFFF, s1;
	s0 =	rddreg [dreg:$0x3];
	[sflag:s4] =	ssyncset.done $0x0  }
.LBB2_3:
0x1f0: {  	[sflag:s4] =	ssyncadd.s32 @p0 $0xFFFFD000  }
0x1f1: {  	[tilespmem:s2], [sflag:$0x3] =	stream.linear.gather [hbm4b:s0+s2], $0xD80, $0x38;
	[tilespmem:$0x7000] =	vst v63  }
0x1f2: {  	_ =	swait.ge [sflag:s4], $0xD80  }
0x1f3: {  	[sflag:s4] =	ssyncset.done $0x0  }
0x1f4: {  	[sflag:s4] =	ssyncadd.s32 $0xFFFFF280  }
0x1f5: {  	[tilespmem:s5], [sflag:$0x1] =	stream.indirect.gather [hbm4b:s3+s7], $0x80, s2, s7, $0xb8;
	[tilespmem:$0x7000] =	vst v63  }
0x1f6: {  	s1 =	rddreg [dreg:$0x1f]  }
0x1f7: {  	[tilespmem:s8], [sflag:$0x2] =	stream.indirect.gather [hbm4b:s3+s7], $0x80, s1, s7, $0xb8;
	[tilespmem:$0x7000] =	vst v63  }
0x1f8: {  	_ =	swait.ge [sflag:s6], $0x3000  }
0x1f9: {  	[sflag:s6] =	ssyncset.done $0x0  }
0x1fa: {  	s1 =	rddreg [dreg:$0x4];
	[sflag:s6] =	ssyncadd.s32 $0xFFFFD000  }
0x1fb: {  	[hbm4b:s1+s2] =	stream.linear.scatter [tilespmem:s5], [sflag:$0x3], $0x3000, $0x38;
	[tilespmem:$0x7000] =	vst v63  }
0x1fc: {  	_ =	swait.ge [sflag:s4], $0x3000  }
0x1fd: {  	s1 =	sld [smem:$0x7FA]  }
0x1fe: {  	[sflag:s4] =	ssyncset.done $0x0  }
0x1ff: {  	[sflag:s4] =	ssyncadd.s32 $0xFFFFD000  }
0x200: {  	[tilespmem:s5], [sflag:$0x1] =	stream.indirect.gather [hbm4b:s3+s7], $0x80, s1, s7, $0xb8;
	[tilespmem:$0x7000] =	vst v63  }
0x201: {  	_ =	swait.ge [sflag:s9], $0x3000  }
0x202: {  	[sflag:s9] =	ssyncset.done $0x0  }
0x203: {  	s1 =	rddreg [dreg:$0x5];
	[sflag:s9] =	ssyncadd.s32 $0xFFFFD000  }
0x204: {  	[hbm4b:s1+s2] =	stream.linear.scatter [tilespmem:s8], [sflag:$0x3], $0x3000, $0x38;
	[tilespmem:$0x7000] =	vst v63  }
0x205: {  	_ =	swait.ge [sflag:s4], $0x3000  }
0x206: {  	s1 =	sld [smem:$0x7FB]  }
0x207: {  	[sflag:s4] =	ssyncset.done $0x0  }
0x208: {  	[sflag:s4] =	ssyncadd.s32 $0xFFFFD000  }
0x209: {  	[tilespmem:s8], [sflag:$0x2] =	stream.indirect.gather [hbm4b:s3+s7], $0x80, s1, s7, $0xb8;
	[tilespmem:$0x7000] =	vst v63  }
0x20a: {  	_ =	swait.ge [sflag:s6], $0x3000  }
0x20b: {  	[sflag:s6] =	ssyncset.done $0x0  }
0x20c: {  	s1 =	rddreg [dreg:$0x6];
	[sflag:s6] =	ssyncadd.s32 $0xFFFFD000  }
0x20d: {  	[hbm4b:s1+s2] =	stream.linear.scatter [tilespmem:s5], [sflag:$0x3], $0x3000, $0x38;
	[tilespmem:$0x7000] =	vst v63  }
0x20e: {  	_ =	swait.ge [sflag:s4], $0x3000  }
0x20f: {  	s1 =	sld [smem:$0x7FC]  }
0x210: {  	[sflag:s4] =	ssyncset.done $0x0  }
0x211: {  	[sflag:s4] =	ssyncadd.s32 $0xFFFFD000  }
0x212: {  	[tilespmem:s5], [sflag:$0x1] =	stream.indirect.gather [hbm4b:s3+s7], $0x80, s1, s7, $0xb8;
	[tilespmem:$0x7000] =	vst v63  }
0x213: {  	_ =	swait.ge [sflag:s9], $0x3000  }
0x214: {  	[sflag:s9] =	ssyncset.done $0x0  }
0x215: {  	s1 =	rddreg [dreg:$0x7];
	[sflag:s9] =	ssyncadd.s32 $0xFFFFD000  }
0x216: {  	[hbm4b:s1+s2] =	stream.linear.scatter [tilespmem:s8], [sflag:$0x3], $0x3000, $0x38;
	[tilespmem:$0x7000] =	vst v63  }
0x217: {  	_ =	swait.ge [sflag:s4], $0x3000  }
0x218: {  	s1 =	sld [smem:$0x7FD]  }
0x219: {  	[sflag:s4] =	ssyncset.done $0x0  }
0x21a: {  	[sflag:s4] =	ssyncadd.s32 $0xFFFFD000  }
0x21b: {  	[tilespmem:s8], [sflag:$0x2] =	stream.indirect.gather [hbm4b:s3+s7], $0x80, s1, s7, $0xb8;
	[tilespmem:$0x7000] =	vst v63  }
0x21c: {  	_ =	swait.ge [sflag:s6], $0x3000  }
0x21d: {  	[sflag:s6] =	ssyncset.done $0x0  }
0x21e: {  	s1 =	rddreg [dreg:$0x8];
	[sflag:s6] =	ssyncadd.s32 $0xFFFFD000  }
0x21f: {  	[hbm4b:s1+s2] =	stream.linear.scatter [tilespmem:s5], [sflag:$0x3], $0x3000, $0x38;
	[tilespmem:$0x7000] =	vst v63  }
0x220: {  	_ =	swait.ge [sflag:s4], $0x3000  }
0x221: {  	[sflag:s4] =	ssyncset.done $0x0  }
0x222: {  	[sflag:s4] =	ssyncadd.s32 $0xFFFFD000  }
0x223: {  	[tilespmem:s5], [sflag:$0x1] =	stream.indirect.gather [hbm4b:s3+s7], $0x80, s31, s7, $0xb8;
	[tilespmem:$0x7000] =	vst v63  }
0x224: {  	_ =	swait.ge [sflag:s9], $0x3000  }
0x225: {  	[sflag:s9] =	ssyncset.done $0x0  }
0x226: {  	s31 =	rddreg [dreg:$0x9];
	[sflag:s9] =	ssyncadd.s32 $0xFFFFD000  }
0x227: {  	[hbm4b:s31+s2] =	stream.linear.scatter [tilespmem:s8], [sflag:$0x3], $0x3000, $0x38;
	[tilespmem:$0x7000] =	vst v63  }
0x228: {  	_ =	swait.ge [sflag:s4], $0x3000  }
0x229: {  	[sflag:s4] =	ssyncset.done $0x0  }
0x22a: {  	[sflag:s4] =	ssyncadd.s32 $0xFFFFD000  }
0x22b: {  	[tilespmem:s8], [sflag:$0x2] =	stream.indirect.gather [hbm4b:s3+s7], $0x80, s30, s7, $0xb8;
	[tilespmem:$0x7000] =	vst v63  }
0x22c: {  	_ =	swait.ge [sflag:s6], $0x3000  }
0x22d: {  	[sflag:s6] =	ssyncset.done $0x0  }
0x22e: {  	s1 =	rddreg [dreg:$0xa];
	[sflag:s6] =	ssyncadd.s32 $0xFFFFD000  }
0x22f: {  	[hbm4b:s1+s2] =	stream.linear.scatter [tilespmem:s5], [sflag:$0x3], $0x3000, $0x38;
	[tilespmem:$0x7000] =	vst v63  }
0x230: {  	_ =	swait.ge [sflag:s4], $0x3000  }
0x231: {  	[sflag:s4] =	ssyncset.done $0x0  }
0x232: {  	[sflag:s4] =	ssyncadd.s32 $0xFFFFD000  }
0x233: {  	[tilespmem:s5], [sflag:$0x1] =	stream.indirect.gather [hbm4b:s3+s7], $0x80, s29, s7, $0xb8;
	[tilespmem:$0x7000] =	vst v63  }
0x234: {  	_ =	swait.ge [sflag:s9], $0x3000  }
0x235: {  	[sflag:s9] =	ssyncset.done $0x0  }
0x236: {  	s30 =	rddreg [dreg:$0xb];
	[sflag:s9] =	ssyncadd.s32 $0xFFFFD000  }
0x237: {  	[hbm4b:s30+s2] =	stream.linear.scatter [tilespmem:s8], [sflag:$0x3], $0x3000, $0x38;
	[tilespmem:$0x7000] =	vst v63  }
0x238: {  	_ =	swait.ge [sflag:s4], $0x3000  }
0x239: {  	[sflag:s4] =	ssyncset.done $0x0  }
0x23a: {  	[sflag:s4] =	ssyncadd.s32 $0xFFFFD000  }
0x23b: {  	[tilespmem:s8], [sflag:$0x2] =	stream.indirect.gather [hbm4b:s3+s7], $0x80, s28, s7, $0xb8;
	[tilespmem:$0x7000] =	vst v63  }
0x23c: {  	_ =	swait.ge [sflag:s6], $0x3000  }
0x23d: {  	[sflag:s6] =	ssyncset.done $0x0  }
0x23e: {  	s31 =	rddreg [dreg:$0xc];
	[sflag:s6] =	ssyncadd.s32 $0xFFFFD000  }
0x23f: {  	[hbm4b:s31+s2] =	stream.linear.scatter [tilespmem:s5], [sflag:$0x3], $0x3000, $0x38;
	[tilespmem:$0x7000] =	vst v63  }
0x240: {  	_ =	swait.ge [sflag:s4], $0x3000  }
0x241: {  	[sflag:s4] =	ssyncset.done $0x0  }
0x242: {  	[sflag:s4] =	ssyncadd.s32 $0xFFFFD000  }
0x243: {  	[tilespmem:s5], [sflag:$0x1] =	stream.indirect.gather [hbm4b:s3+s7], $0x80, s26, s7, $0xb8;
	[tilespmem:$0x7000] =	vst v63  }
0x244: {  	_ =	swait.ge [sflag:s9], $0x3000  }
0x245: {  	[sflag:s9] =	ssyncset.done $0x0  }
0x246: {  	s1 =	rddreg [dreg:$0xd];
	[sflag:s9] =	ssyncadd.s32 $0xFFFFD000  }
0x247: {  	[hbm4b:s1+s2] =	stream.linear.scatter [tilespmem:s8], [sflag:$0x3], $0x3000, $0x38;
	[tilespmem:$0x7000] =	vst v63  }
0x248: {  	_ =	swait.ge [sflag:s4], $0x3000  }
0x249: {  	[sflag:s4] =	ssyncset.done $0x0  }
0x24a: {  	[sflag:s4] =	ssyncadd.s32 $0xFFFFD000  }
0x24b: {  	[tilespmem:s8], [sflag:$0x2] =	stream.indirect.gather [hbm4b:s3+s7], $0x80, s25, s7, $0xb8;
	[tilespmem:$0x7000] =	vst v63  }
0x24c: {  	_ =	swait.ge [sflag:s6], $0x3000  }
0x24d: {  	[sflag:s6] =	ssyncset.done $0x0  }
0x24e: {  	s26 =	rddreg [dreg:$0xe];
	[sflag:s6] =	ssyncadd.s32 $0xFFFFD000  }
0x24f: {  	[hbm4b:s26+s2] =	stream.linear.scatter [tilespmem:s5], [sflag:$0x3], $0x3000, $0x38;
	[tilespmem:$0x7000] =	vst v63  }
0x250: {  	_ =	swait.ge [sflag:s4], $0x3000  }
0x251: {  	[sflag:s4] =	ssyncset.done $0x0  }
0x252: {  	[sflag:s4] =	ssyncadd.s32 $0xFFFFD000  }
0x253: {  	[tilespmem:s5], [sflag:$0x1] =	stream.indirect.gather [hbm4b:s3+s7], $0x80, s24, s7, $0xb8;
	[tilespmem:$0x7000] =	vst v63  }
0x254: {  	_ =	swait.ge [sflag:s9], $0x3000  }
0x255: {  	[sflag:s9] =	ssyncset.done $0x0  }
0x256: {  	s28 =	rddreg [dreg:$0xf];
	[sflag:s9] =	ssyncadd.s32 $0xFFFFD000  }
0x257: {  	[hbm4b:s28+s2] =	stream.linear.scatter [tilespmem:s8], [sflag:$0x3], $0x3000, $0x38;
	[tilespmem:$0x7000] =	vst v63  }
0x258: {  	_ =	swait.ge [sflag:s4], $0x3000  }
0x259: {  	[sflag:s4] =	ssyncset.done $0x0  }
0x25a: {  	[sflag:s4] =	ssyncadd.s32 $0xFFFFD000  }
0x25b: {  	[tilespmem:s8], [sflag:$0x2] =	stream.indirect.gather [hbm4b:s3+s7], $0x80, s23, s7, $0xb8;
	[tilespmem:$0x7000] =	vst v63  }
0x25c: {  	_ =	swait.ge [sflag:s6], $0x3000  }
0x25d: {  	[sflag:s6] =	ssyncset.done $0x0  }
0x25e: {  	s29 =	rddreg [dreg:$0x10];
	[sflag:s6] =	ssyncadd.s32 $0xFFFFD000  }
0x25f: {  	[hbm4b:s29+s2] =	stream.linear.scatter [tilespmem:s5], [sflag:$0x3], $0x3000, $0x38;
	[tilespmem:$0x7000] =	vst v63  }
0x260: {  	_ =	swait.ge [sflag:s4], $0x3000  }
0x261: {  	[sflag:s4] =	ssyncset.done $0x0  }
0x262: {  	[sflag:s4] =	ssyncadd.s32 $0xFFFFD000  }
0x263: {  	[tilespmem:s5], [sflag:$0x1] =	stream.indirect.gather [hbm4b:s3+s7], $0x80, s22, s7, $0xb8;
	[tilespmem:$0x7000] =	vst v63  }
0x264: {  	_ =	swait.ge [sflag:s9], $0x3000  }
0x265: {  	[sflag:s9] =	ssyncset.done $0x0  }
0x266: {  	s30 =	rddreg [dreg:$0x11];
	[sflag:s9] =	ssyncadd.s32 $0xFFFFD000  }
0x267: {  	[hbm4b:s30+s2] =	stream.linear.scatter [tilespmem:s8], [sflag:$0x3], $0x3000, $0x38;
	[tilespmem:$0x7000] =	vst v63  }
0x268: {  	_ =	swait.ge [sflag:s4], $0x3000  }
0x269: {  	[sflag:s4] =	ssyncset.done $0x0  }
0x26a: {  	[sflag:s4] =	ssyncadd.s32 $0xFFFFD000  }
0x26b: {  	[tilespmem:s8], [sflag:$0x2] =	stream.indirect.gather [hbm4b:s3+s7], $0x80, s21, s7, $0xb8;
	[tilespmem:$0x7000] =	vst v63  }
0x26c: {  	_ =	swait.ge [sflag:s6], $0x3000  }
0x26d: {  	[sflag:s6] =	ssyncset.done $0x0  }
0x26e: {  	s31 =	rddreg [dreg:$0x12];
	[sflag:s6] =	ssyncadd.s32 $0xFFFFD000  }
0x26f: {  	[hbm4b:s31+s2] =	stream.linear.scatter [tilespmem:s5], [sflag:$0x3], $0x3000, $0x38;
	[tilespmem:$0x7000] =	vst v63  }
0x270: {  	_ =	swait.ge [sflag:s4], $0x3000  }
0x271: {  	[sflag:s4] =	ssyncset.done $0x0  }
0x272: {  	[sflag:s4] =	ssyncadd.s32 $0xFFFFD000  }
0x273: {  	[tilespmem:s5], [sflag:$0x1] =	stream.indirect.gather [hbm4b:s3+s7], $0x80, s20, s7, $0xb8;
	[tilespmem:$0x7000] =	vst v63  }
0x274: {  	_ =	swait.ge [sflag:s9], $0x3000  }
0x275: {  	[sflag:s9] =	ssyncset.done $0x0  }
0x276: {  	s1 =	rddreg [dreg:$0x13];
	[sflag:s9] =	ssyncadd.s32 $0xFFFFD000  }
0x277: {  	[hbm4b:s1+s2] =	stream.linear.scatter [tilespmem:s8], [sflag:$0x3], $0x3000, $0x38;
	[tilespmem:$0x7000] =	vst v63  }
0x278: {  	_ =	swait.ge [sflag:s4], $0x3000  }
0x279: {  	[sflag:s4] =	ssyncset.done $0x0  }
0x27a: {  	[sflag:s4] =	ssyncadd.s32 $0xFFFFD000  }
0x27b: {  	[tilespmem:s8], [sflag:$0x2] =	stream.indirect.gather [hbm4b:s3+s7], $0x80, s19, s7, $0xb8;
	[tilespmem:$0x7000] =	vst v63  }
0x27c: {  	_ =	swait.ge [sflag:s6], $0x3000  }
0x27d: {  	[sflag:s6] =	ssyncset.done $0x0  }
0x27e: {  	s19 =	rddreg [dreg:$0x14];
	[sflag:s6] =	ssyncadd.s32 $0xFFFFD000  }
0x27f: {  	[hbm4b:s19+s2] =	stream.linear.scatter [tilespmem:s5], [sflag:$0x3], $0x3000, $0x38;
	[tilespmem:$0x7000] =	vst v63  }
0x280: {  	_ =	swait.ge [sflag:s4], $0x3000  }
0x281: {  	[sflag:s4] =	ssyncset.done $0x0  }
0x282: {  	[sflag:s4] =	ssyncadd.s32 $0xFFFFD000  }
0x283: {  	[tilespmem:s5], [sflag:$0x1] =	stream.indirect.gather [hbm4b:s3+s7], $0x80, s18, s7, $0xb8;
	[tilespmem:$0x7000] =	vst v63  }
0x284: {  	_ =	swait.ge [sflag:s9], $0x3000  }
0x285: {  	[sflag:s9] =	ssyncset.done $0x0  }
0x286: {  	s20 =	rddreg [dreg:$0x15];
	[sflag:s9] =	ssyncadd.s32 $0xFFFFD000  }
0x287: {  	[hbm4b:s20+s2] =	stream.linear.scatter [tilespmem:s8], [sflag:$0x3], $0x3000, $0x38;
	[tilespmem:$0x7000] =	vst v63  }
0x288: {  	_ =	swait.ge [sflag:s4], $0x3000  }
0x289: {  	[sflag:s4] =	ssyncset.done $0x0  }
0x28a: {  	[sflag:s4] =	ssyncadd.s32 $0xFFFFD000  }
0x28b: {  	[tilespmem:s8], [sflag:$0x2] =	stream.indirect.gather [hbm4b:s3+s7], $0x80, s17, s7, $0xb8;
	[tilespmem:$0x7000] =	vst v63  }
0x28c: {  	_ =	swait.ge [sflag:s6], $0x3000  }
0x28d: {  	[sflag:s6] =	ssyncset.done $0x0  }
0x28e: {  	s21 =	rddreg [dreg:$0x16];
	[sflag:s6] =	ssyncadd.s32 $0xFFFFD000  }
0x28f: {  	[hbm4b:s21+s2] =	stream.linear.scatter [tilespmem:s5], [sflag:$0x3], $0x3000, $0x38;
	[tilespmem:$0x7000] =	vst v63  }
0x290: {  	_ =	swait.ge [sflag:s4], $0x3000  }
0x291: {  	[sflag:s4] =	ssyncset.done $0x0  }
0x292: {  	[sflag:s4] =	ssyncadd.s32 $0xFFFFD000  }
0x293: {  	[tilespmem:s5], [sflag:$0x1] =	stream.indirect.gather [hbm4b:s3+s7], $0x80, s16, s7, $0xb8;
	[tilespmem:$0x7000] =	vst v63  }
0x294: {  	_ =	swait.ge [sflag:s9], $0x3000  }
0x295: {  	[sflag:s9] =	ssyncset.done $0x0  }
0x296: {  	s22 =	rddreg [dreg:$0x17];
	[sflag:s9] =	ssyncadd.s32 $0xFFFFD000  }
0x297: {  	[hbm4b:s22+s2] =	stream.linear.scatter [tilespmem:s8], [sflag:$0x3], $0x3000, $0x38;
	[tilespmem:$0x7000] =	vst v63  }
0x298: {  	_ =	swait.ge [sflag:s4], $0x3000  }
0x299: {  	[sflag:s4] =	ssyncset.done $0x0  }
0x29a: {  	[sflag:s4] =	ssyncadd.s32 $0xFFFFD000  }
0x29b: {  	[tilespmem:s8], [sflag:$0x2] =	stream.indirect.gather [hbm4b:s3+s7], $0x80, s15, s7, $0xb8;
	[tilespmem:$0x7000] =	vst v63  }
0x29c: {  	_ =	swait.ge [sflag:s6], $0x3000  }
0x29d: {  	[sflag:s6] =	ssyncset.done $0x0  }
0x29e: {  	s23 =	rddreg [dreg:$0x18];
	[sflag:s6] =	ssyncadd.s32 $0xFFFFD000  }
0x29f: {  	[hbm4b:s23+s2] =	stream.linear.scatter [tilespmem:s5], [sflag:$0x3], $0x3000, $0x38;
	[tilespmem:$0x7000] =	vst v63  }
0x2a0: {  	_ =	swait.ge [sflag:s4], $0x3000  }
0x2a1: {  	[sflag:s4] =	ssyncset.done $0x0  }
0x2a2: {  	[sflag:s4] =	ssyncadd.s32 $0xFFFFD000  }
0x2a3: {  	[tilespmem:s5], [sflag:$0x1] =	stream.indirect.gather [hbm4b:s3+s7], $0x80, s14, s7, $0xb8;
	[tilespmem:$0x7000] =	vst v63  }
0x2a4: {  	_ =	swait.ge [sflag:s9], $0x3000  }
0x2a5: {  	[sflag:s9] =	ssyncset.done $0x0  }
0x2a6: {  	s24 =	rddreg [dreg:$0x19];
	[sflag:s9] =	ssyncadd.s32 $0xFFFFD000  }
0x2a7: {  	[hbm4b:s24+s2] =	stream.linear.scatter [tilespmem:s8], [sflag:$0x3], $0x3000, $0x38;
	[tilespmem:$0x7000] =	vst v63  }
0x2a8: {  	_ =	swait.ge [sflag:s4], $0x3000  }
0x2a9: {  	[sflag:s4] =	ssyncset.done $0x0  }
0x2aa: {  	[sflag:s4] =	ssyncadd.s32 $0xFFFFD000  }
0x2ab: {  	[tilespmem:s8], [sflag:$0x2] =	stream.indirect.gather [hbm4b:s3+s7], $0x80, s13, s7, $0xb8;
	[tilespmem:$0x7000] =	vst v63  }
0x2ac: {  	_ =	swait.ge [sflag:s6], $0x3000  }
0x2ad: {  	[sflag:s6] =	ssyncset.done $0x0  }
0x2ae: {  	s25 =	rddreg [dreg:$0x1a];
	[sflag:s6] =	ssyncadd.s32 $0xFFFFD000  }
0x2af: {  	[hbm4b:s25+s2] =	stream.linear.scatter [tilespmem:s5], [sflag:$0x3], $0x3000, $0x38;
	[tilespmem:$0x7000] =	vst v63  }
0x2b0: {  	_ =	swait.ge [sflag:s4], $0x3000  }
0x2b1: {  	[sflag:s4] =	ssyncset.done $0x0  }
0x2b2: {  	[sflag:s4] =	ssyncadd.s32 $0xFFFFD000  }
0x2b3: {  	[tilespmem:s5], [sflag:$0x1] =	stream.indirect.gather [hbm4b:s3+s7], $0x80, s12, s7, $0xb8;
	[tilespmem:$0x7000] =	vst v63  }
0x2b4: {  	_ =	swait.ge [sflag:s9], $0x3000  }
0x2b5: {  	[sflag:s9] =	ssyncset.done $0x0  }
0x2b6: {  	s26 =	rddreg [dreg:$0x1b];
	[sflag:s9] =	ssyncadd.s32 $0xFFFFD000  }
0x2b7: {  	[hbm4b:s26+s2] =	stream.linear.scatter [tilespmem:s8], [sflag:$0x3], $0x3000, $0x38;
	[tilespmem:$0x7000] =	vst v63  }
0x2b8: {  	_ =	swait.ge [sflag:s4], $0x3000  }
0x2b9: {  	[sflag:s4] =	ssyncset.done $0x0  }
0x2ba: {  	[sflag:s4] =	ssyncadd.s32 $0xFFFFD000  }
0x2bb: {  	[tilespmem:s8], [sflag:$0x2] =	stream.indirect.gather [hbm4b:s3+s7], $0x80, s11, s7, $0xb8;
	[tilespmem:$0x7000] =	vst v63  }
0x2bc: {  	_ =	swait.ge [sflag:s6], $0x3000  }
0x2bd: {  	[sflag:s6] =	ssyncset.done $0x0  }
0x2be: {  	s28 =	rddreg [dreg:$0x1c];
	[sflag:s6] =	ssyncadd.s32 $0xFFFFD000  }
0x2bf: {  	[hbm4b:s28+s2] =	stream.linear.scatter [tilespmem:s5], [sflag:$0x3], $0x3000, $0x38;
	[tilespmem:$0x7000] =	vst v63  }
0x2c0: {  	_ =	swait.ge [sflag:s4], $0x3000  }
0x2c1: {  	[sflag:s4] =	ssyncset.done $0x0  }
0x2c2: {  	[sflag:s4] =	ssyncadd.s32 $0xFFFFD000  }
0x2c3: {  	[tilespmem:s5], [sflag:$0x1] =	stream.indirect.gather [hbm4b:s3+s7], $0x80, s10, s7, $0xb8;
	[tilespmem:$0x7000] =	vst v63  }
0x2c4: {  	_ =	swait.ge [sflag:s9], $0x3000  }
0x2c5: {  	[sflag:s9] =	ssyncset.done $0x0  }
0x2c6: {  	s29 =	rddreg [dreg:$0x1d];
	[sflag:s9] =	ssyncadd.s32 $0xFFFFD000  }
0x2c7: {  	[hbm4b:s29+s2] =	stream.linear.scatter [tilespmem:s8], [sflag:$0x3], $0x3000, $0x38;
	[tilespmem:$0x7000] =	vst v63  }
0x2c8: {  	_ =	swait.ge [sflag:s4], $0x3000  }
0x2c9: {  	[sflag:s4] =	ssyncset.done $0x0  }
0x2ca: {  	[sflag:s4] =	ssyncadd.s32 $0xFFFFD000  }
0x2cb: {  	_ =	swait.ge [sflag:s6], $0x3000  }
0x2cc: {  	[sflag:s6] =	ssyncset.done $0x0  }
0x2cd: {  	s30 =	rddreg [dreg:$0x1e];
	[sflag:s6] =	ssyncadd.s32 $0xFFFFD000  }
0x2ce: {  	[hbm4b:s30+s2] =	stream.linear.scatter [tilespmem:s5], [sflag:$0x3], $0x3000, $0x38;
	[tilespmem:$0x7000] =	vst v63  }
0x2cf: {  	_ =	swait.ge [sflag:s4], $0x3000  }
0x2d0: {  	[sflag:s4] =	ssyncset.done $0x0  }
0x2d1: {  	[sflag:s4] =	ssyncadd.s32 $0xFFFFD000  }
0x2d2: {  	_ =	sfence.sel $0x180000  }
0x2d3: {  	[bflag:$0x0] =	sbarrier.arrive $0xFFFF  }
0x2d4: {  	_ =	strace $0x90000047  }
0x2d5: {  	s31 =	stileid.u32;
	[bflag:$0x2] =	sbarrier.arrive $0xFFFF  }
0x2d6: {  	p0 =	sne.s32 s31, $0x0;
	s0 =	rddreg [dreg:$0x2]  }
0x2d7: {  	s0 =	sadd.s32 @!p0 $0x100000, s0  }
0x2d8: {  	[sflag:s0] =	ssyncadd.tile.s32 @!p0 $0x1;
	_ =	shalt  }
.Lfunc_end2:
_tile_overlayer_lowered:
.L_overlay_start_2:
0x2d9: {  	(tag) =	ssettag $0x2  }
0x2da: {  	s0 =	rddreg [dreg:$0x0];
	s2 =	stileid.u32  }
0x2db: {  	s1 =	rddreg [dreg:$0x1];
	p0 =	sne.s32 s2, $0x0  }
0x2dc: {  	s3 =	rddreg [dreg:$0x2];
	[bflag:$0x3] =	sbarrier.arrive $0xFFFF;
	s2 =	simm.s32 @!p0 $0x1C03  }
0x2dd: {  	[timem:s3], [sflag:s2] =	dma.local @!p0 [hbm:s0], s1  }
0x2de: {  	s0 =	simm.s32 @!p0 $0x3  }
0x2df: {  	_ =	swait.ge @!p0 [sflag:s0], s1  }
0x2e0: {  	s1 =	ssub.s32 @!p0 $0x0, s1;
	[sflag:s0] =	ssyncset.done @!p0 $0x0  }
0x2e1: {  	[sflag:s0] =	ssyncadd.s32 @!p0 s1  }
0x2e2: {  	[bflag:$0x3] =	sbarrier.arrive $0xFFFF  }
0x2e3: {  	_ =	shalt  }

</sc_bundles>
